<compile_context>
chip_gen: v7x
topology: tpu7x:2x2x1
jax: 0.10.2.dev20260603
libtpu: 0.0.44.dev20260713+nightly
codegen_flags: <defaults>
</compile_context>

<pallas_src>
import functools

import jax
import jax.numpy as jnp
from jax import lax
from jax.experimental import pallas as pl
from jax.experimental.pallas import tpu as pltpu
from jax.experimental.pallas import tpu_sc as plsc

NC = 2
NS = 16
NW = NC * NS
CHUNK = 128


def _deg_sc(np_, nchunk):
    mesh = plsc.VectorSubcoreMesh(core_axis_name="c", subcore_axis_name="s")
    seg = np_ // NS

    @functools.partial(
        pl.kernel,
        out_type=jax.ShapeDtypeStruct((NC, np_), jnp.float32),
        mesh=mesh,
        scratch_types=[
            pltpu.VMEM_SHARED((np_,), jnp.float32),
            pltpu.VMEM((seg,), jnp.float32),
            pltpu.VMEM((CHUNK,), jnp.float32),
            pltpu.VMEM((CHUNK,), jnp.int32),
        ],
    )
    def deg_kernel(dst_hbm, out_hbm, deg_sh, seg_v, ones_v, idx_v):
        c = lax.axis_index("c")
        s = lax.axis_index("s")

        def zbody(i, _):
            seg_v[pl.ds(i * 16, 16)] = jnp.zeros((16,), jnp.float32)
            return 0

        lax.fori_loop(0, seg // 16, zbody, 0)
        for i in range(CHUNK // 16):
            ones_v[pl.ds(i * 16, 16)] = jnp.ones((16,), jnp.float32)
        base = s * seg
        pltpu.sync_copy(seg_v, deg_sh.at[pl.ds(base, seg)])
        plsc.subcore_barrier()

        w = s * NC + c
        lo = w * nchunk // NW
        hi = (w + 1) * nchunk // NW

        def body(j, _):
            pltpu.sync_copy(dst_hbm.at[j], idx_v)
            pltpu.sync_copy(ones_v, deg_sh.at[idx_v], add=True)
            return 0

        lax.fori_loop(lo, hi, body, 0)
        plsc.subcore_barrier()
        pltpu.sync_copy(deg_sh.at[pl.ds(base, seg)], seg_v)
        pltpu.sync_copy(seg_v, out_hbm.at[c, pl.ds(base, seg)])

    return deg_kernel


def _scatter_sc(np_, dh, nchunk):
    mesh = plsc.VectorSubcoreMesh(core_axis_name="c", subcore_axis_name="s")
    seg = np_ // NS

    @functools.partial(
        pl.kernel,
        out_type=jax.ShapeDtypeStruct((NC, np_, dh), jnp.float32),
        mesh=mesh,
        scratch_types=[
            pltpu.VMEM_SHARED((np_, dh), jnp.float32),
            pltpu.VMEM_SHARED((np_, dh), jnp.float32),
            pltpu.VMEM((seg, dh), jnp.float32),
            pltpu.VMEM((CHUNK,), jnp.int32),
            pltpu.VMEM((CHUNK,), jnp.int32),
            pltpu.VMEM((CHUNK, dh), jnp.float32),
        ],
    )
    def scatter_kernel(src_hbm, dst_hbm, hs_hbm, out_hbm,
                       hs_sh, agg_sh, stage_v, si_v, di_v, rows_v):
        c = lax.axis_index("c")
        s = lax.axis_index("s")
        base = s * seg
        pltpu.sync_copy(hs_hbm.at[pl.ds(base, seg)], stage_v)
        pltpu.sync_copy(stage_v, hs_sh.at[pl.ds(base, seg)])
        pltpu.sync_copy(stage_v, agg_sh.at[pl.ds(base, seg)])
        plsc.subcore_barrier()

        w = s * NC + c
        lo = w * nchunk // NW
        hi = (w + 1) * nchunk // NW

        def body(j, _):
            pltpu.sync_copy(src_hbm.at[j], si_v)
            pltpu.sync_copy(dst_hbm.at[j], di_v)
            pltpu.sync_copy(hs_sh.at[si_v], rows_v)
            pltpu.sync_copy(rows_v, agg_sh.at[di_v], add=True)
            return 0

        lax.fori_loop(lo, hi, body, 0)
        plsc.subcore_barrier()
        pltpu.sync_copy(agg_sh.at[pl.ds(base, seg)], stage_v)
        pltpu.sync_copy(stage_v, out_hbm.at[c, pl.ds(base, seg)])

    return scatter_kernel


def _hs_body(x_ref, w1_ref, degt_ref, hs_ref):
    h = jnp.dot(x_ref[...], w1_ref[...], preferred_element_type=jnp.float32)
    degsum = degt_ref[:, 0:1] + degt_ref[:, 1:2] + 1.0
    hs_ref[...] = h * lax.rsqrt(degsum)


def _out_body(agg_ref, hs_ref, degt_ref, w2_ref, b1_ref, b2_ref, o_ref):
    degsum = degt_ref[:, 0:1] + degt_ref[:, 1:2] + 1.0
    dis = lax.rsqrt(degsum)
    conv = dis * (agg_ref[0] + agg_ref[1] - hs_ref[...]) + b1_ref[...]
    o_ref[...] = (
        jnp.dot(conv, w2_ref[...], preferred_element_type=jnp.float32)
        + b2_ref[...]
    )


def kernel(x, edge_index, W1, b1, W2, b2):
    n, d_in = x.shape
    e = edge_index.shape[1]
    d_hid = W1.shape[1]
    d_out = W2.shape[1]
    np_ = ((n + 2047) // 2048) * 2048
    assert e % CHUNK == 0
    nchunk = e // CHUNK

    ei = edge_index.astype(jnp.int32)
    src2d = ei[0].reshape(nchunk, CHUNK)
    dst2d = ei[1].reshape(nchunk, CHUNK)
    x_pad = jnp.pad(x, ((0, np_ - n), (0, 0)))

    deg = _deg_sc(np_, nchunk)(dst2d)
    degt = deg.T

    hs = pl.pallas_call(
        _hs_body,
        out_shape=jax.ShapeDtypeStruct((np_, d_hid), jnp.float32),
    )(x_pad, W1, degt)

    agg = _scatter_sc(np_, d_hid, nchunk)(src2d, dst2d, hs)

    out = pl.pallas_call(
        _out_body,
        out_shape=jax.ShapeDtypeStruct((np_, d_out), jnp.float32),
    )(agg, hs, degt, W2, b1.reshape(1, d_hid), b2.reshape(1, d_out))

    return out[:n]

# --- scband reference (transcript-rebuilt; emitter-appended) ---
"""Pipeline reference for scband-gcn-86354612453593 (READ-ONLY COPY).

The authoritative reference and input builder live on the scoring server;
editing this copy changes nothing except your own understanding.
"""

import jax, jax.numpy as jnp
import numpy as np

N_NODES = 10000
N_EDGES = 320000
D_IN = 128
D_HID = 16
D_OUT = 128


def setup_inputs(seed: int = 0) -> dict:
    key = jax.random.key(seed)
    k1, k2, k3, k4 = jax.random.split(key, 4)
    x = jax.random.normal(k1, (N_NODES, D_IN), dtype=jnp.float32)
    edge_index = jax.random.randint(k2, (2, N_EDGES), 0, N_NODES, dtype=jnp.int64)
    # GCNConv linear weight (glorot) and bias (zeros), PyG convention stores weight as [in, out] applied as x @ W
    limit1 = float(np.sqrt(6.0 / (D_IN + D_HID)))
    W1 = jax.random.uniform(k3, (D_IN, D_HID), dtype=jnp.float32, minval=-limit1, maxval=limit1)
    b1 = jnp.zeros((D_HID,), dtype=jnp.float32)
    # output Linear: xavier_uniform_ weight, zero bias (per weights_init)
    limit2 = float(np.sqrt(6.0 / (D_HID + D_OUT)))
    W2 = jax.random.uniform(k4, (D_HID, D_OUT), dtype=jnp.float32, minval=-limit2, maxval=limit2)
    b2 = jnp.zeros((D_OUT,), dtype=jnp.float32)
    return {"x": x, "edge_index": edge_index, "W1": W1, "b1": b1, "W2": W2, "b2": b2}


def _gcn_conv(x, edge_index, W, b):
    # Faithful GCNConv: linear transform, add self-loops, symmetric normalization, scatter-add aggregate, bias.
    n = x.shape[0]
    loop = jnp.arange(n, dtype=edge_index.dtype)
    src = jnp.concatenate([edge_index[0], loop])
    dst = jnp.concatenate([edge_index[1], loop])
    edge_weight = jnp.ones(src.shape[0], dtype=x.dtype)
    deg = jnp.zeros((n,), dtype=x.dtype).at[dst].add(edge_weight)
    deg_inv_sqrt = jnp.where(deg > 0, jax.lax.rsqrt(jnp.where(deg > 0, deg, 1.0)), 0.0)
    norm = deg_inv_sqrt[src] * edge_weight * deg_inv_sqrt[dst]
    h = x @ W
    msg = h[src] * norm[:, None]
    out = jnp.zeros((n, h.shape[1]), dtype=x.dtype).at[dst].add(msg)
    return out + b


def reference(x, edge_index, W1, b1, W2, b2):
    h = _gcn_conv(x, edge_index, W1, b1)
    out = h @ W2 + b2
    return out

if __name__ == "__main__":
    import jax
    _d = setup_inputs()
    print(jax.jit(kernel)(*tuple(_d.values())))

</pallas_src>

<mosaic_0001>
#map = affine_map<(d0, d1) -> (0, 0)>
module attributes {stable_mosaic.version = 14 : i64} {
  func.func @deg_kernel(%arg0: i32, %arg1: i32, %arg2: memref<2500x128xi32, #tpu.memory_space<hbm>>, %arg3: memref<2x10240xf32, #tpu.memory_space<hbm>>, %arg4: memref<10240xf32, #tpu.memory_space<vmem_shared>>, %arg5: memref<640xf32, #tpu.memory_space<vmem>>, %arg6: memref<128xf32, #tpu.memory_space<vmem>>, %arg7: memref<128xi32, #tpu.memory_space<vmem>>) attributes {dimension_semantics = [#tpu.dimension_semantics<core_parallel>, #tpu.dimension_semantics<subcore_parallel>], iteration_bounds = array<i64: 2, 16>, scalar_prefetch = 0 : i64, scratch_operands = 4 : i64, tpu.core_type = #tpu.core_type<sc_vector_subcore>, window_params = [{transform_indices = #map}, {transform_indices = #map}]} {
    %scan3A = arith.constant 0 : i32
    %scan3A_0 = arith.constant 0 : i32
    %scan3A_1 = arith.constant 40 : i32
    %scan3A_2 = arith.addi %scan3A_0, %scan3A_1 : i32
    %scan3A_3 = arith.constant 1 : i32
    %scan3A_4 = scf.for %scan3A_112 = %scan3A_0 to %scan3A_2 step %scan3A_3 iter_args(%scan3A_113 = %scan3A) -> (i32)  : i32 {
      %broadcast_in_dim3A_114 = arith.constant 0.000000e+00 : f32
      %broadcast_in_dim3A_115 = vector.broadcast %broadcast_in_dim3A_114 : f32 to vector<16xf32>
      %mul3A_116 = arith.constant 16 : i32
      %mul3A_117 = arith.muli %scan3A_112, %mul3A_116 : i32
      %swap3A_118 = arith.index_cast %mul3A_117 : i32 to index
      %swap3A_119 = tpu.vector_load %arg5[%swap3A_118] {strides = array<i32>} : memref<640xf32, #tpu.memory_space<vmem>>, vector<16xf32>,
      %swap3A_120 = vector.shape_cast %swap3A_119 : vector<16xf32> to vector<16xf32>
      %swap3A_121 = vector.shape_cast %broadcast_in_dim3A_115 : vector<16xf32> to vector<16xf32>
      tpu.vector_store %arg5[%swap3A_118], %swap3A_121 {strides = array<i32>} : memref<640xf32, #tpu.memory_space<vmem>>, vector<16xf32>,
      %scan3A_122 = arith.constant 0 : i32
      scf.yield %scan3A_122 : i32
    }
    %scan3A_5 = arith.constant 40 : i32
    %broadcast_in_dim3A = arith.constant 1.000000e+00 : f32
    %broadcast_in_dim3A_6 = vector.broadcast %broadcast_in_dim3A : f32 to vector<16xf32>
    %swap3A = arith.constant 0 : index
    %swap3A_7 = tpu.vector_load %arg6[%swap3A] {strides = array<i32>} : memref<128xf32, #tpu.memory_space<vmem>>, vector<16xf32>,
    %swap3A_8 = vector.shape_cast %swap3A_7 : vector<16xf32> to vector<16xf32>
    %swap3A_9 = vector.shape_cast %broadcast_in_dim3A_6 : vector<16xf32> to vector<16xf32>
    tpu.vector_store %arg6[%swap3A], %swap3A_9 {strides = array<i32>} : memref<128xf32, #tpu.memory_space<vmem>>, vector<16xf32>,
    %broadcast_in_dim3A_10 = arith.constant 1.000000e+00 : f32
    %broadcast_in_dim3A_11 = vector.broadcast %broadcast_in_dim3A_10 : f32 to vector<16xf32>
    %swap3A_12 = arith.constant 16 : index
    %swap3A_13 = tpu.vector_load %arg6[%swap3A_12] {strides = array<i32>} : memref<128xf32, #tpu.memory_space<vmem>>, vector<16xf32>,
    %swap3A_14 = vector.shape_cast %swap3A_13 : vector<16xf32> to vector<16xf32>
    %swap3A_15 = vector.shape_cast %broadcast_in_dim3A_11 : vector<16xf32> to vector<16xf32>
    tpu.vector_store %arg6[%swap3A_12], %swap3A_15 {strides = array<i32>} : memref<128xf32, #tpu.memory_space<vmem>>, vector<16xf32>,
    %broadcast_in_dim3A_16 = arith.constant 1.000000e+00 : f32
    %broadcast_in_dim3A_17 = vector.broadcast %broadcast_in_dim3A_16 : f32 to vector<16xf32>
    %swap3A_18 = arith.constant 32 : index
    %swap3A_19 = tpu.vector_load %arg6[%swap3A_18] {strides = array<i32>} : memref<128xf32, #tpu.memory_space<vmem>>, vector<16xf32>,
    %swap3A_20 = vector.shape_cast %swap3A_19 : vector<16xf32> to vector<16xf32>
    %swap3A_21 = vector.shape_cast %broadcast_in_dim3A_17 : vector<16xf32> to vector<16xf32>
    tpu.vector_store %arg6[%swap3A_18], %swap3A_21 {strides = array<i32>} : memref<128xf32, #tpu.memory_space<vmem>>, vector<16xf32>,
    %broadcast_in_dim3A_22 = arith.constant 1.000000e+00 : f32
    %broadcast_in_dim3A_23 = vector.broadcast %broadcast_in_dim3A_22 : f32 to vector<16xf32>
    %swap3A_24 = arith.constant 48 : index
    %swap3A_25 = tpu.vector_load %arg6[%swap3A_24] {strides = array<i32>} : memref<128xf32, #tpu.memory_space<vmem>>, vector<16xf32>,
    %swap3A_26 = vector.shape_cast %swap3A_25 : vector<16xf32> to vector<16xf32>
    %swap3A_27 = vector.shape_cast %broadcast_in_dim3A_23 : vector<16xf32> to vector<16xf32>
    tpu.vector_store %arg6[%swap3A_24], %swap3A_27 {strides = array<i32>} : memref<128xf32, #tpu.memory_space<vmem>>, vector<16xf32>,
    %broadcast_in_dim3A_28 = arith.constant 1.000000e+00 : f32
    %broadcast_in_dim3A_29 = vector.broadcast %broadcast_in_dim3A_28 : f32 to vector<16xf32>
    %swap3A_30 = arith.constant 64 : index
    %swap3A_31 = tpu.vector_load %arg6[%swap3A_30] {strides = array<i32>} : memref<128xf32, #tpu.memory_space<vmem>>, vector<16xf32>,
    %swap3A_32 = vector.shape_cast %swap3A_31 : vector<16xf32> to vector<16xf32>
    %swap3A_33 = vector.shape_cast %broadcast_in_dim3A_29 : vector<16xf32> to vector<16xf32>
    tpu.vector_store %arg6[%swap3A_30], %swap3A_33 {strides = array<i32>} : memref<128xf32, #tpu.memory_space<vmem>>, vector<16xf32>,
    %broadcast_in_dim3A_34 = arith.constant 1.000000e+00 : f32
    %broadcast_in_dim3A_35 = vector.broadcast %broadcast_in_dim3A_34 : f32 to vector<16xf32>
    %swap3A_36 = arith.constant 80 : index
    %swap3A_37 = tpu.vector_load %arg6[%swap3A_36] {strides = array<i32>} : memref<128xf32, #tpu.memory_space<vmem>>, vector<16xf32>,
    %swap3A_38 = vector.shape_cast %swap3A_37 : vector<16xf32> to vector<16xf32>
    %swap3A_39 = vector.shape_cast %broadcast_in_dim3A_35 : vector<16xf32> to vector<16xf32>
    tpu.vector_store %arg6[%swap3A_36], %swap3A_39 {strides = array<i32>} : memref<128xf32, #tpu.memory_space<vmem>>, vector<16xf32>,
    %broadcast_in_dim3A_40 = arith.constant 1.000000e+00 : f32
    %broadcast_in_dim3A_41 = vector.broadcast %broadcast_in_dim3A_40 : f32 to vector<16xf32>
    %swap3A_42 = arith.constant 96 : index
    %swap3A_43 = tpu.vector_load %arg6[%swap3A_42] {strides = array<i32>} : memref<128xf32, #tpu.memory_space<vmem>>, vector<16xf32>,
    %swap3A_44 = vector.shape_cast %swap3A_43 : vector<16xf32> to vector<16xf32>
    %swap3A_45 = vector.shape_cast %broadcast_in_dim3A_41 : vector<16xf32> to vector<16xf32>
    tpu.vector_store %arg6[%swap3A_42], %swap3A_45 {strides = array<i32>} : memref<128xf32, #tpu.memory_space<vmem>>, vector<16xf32>,
    %broadcast_in_dim3A_46 = arith.constant 1.000000e+00 : f32
    %broadcast_in_dim3A_47 = vector.broadcast %broadcast_in_dim3A_46 : f32 to vector<16xf32>
    %swap3A_48 = arith.constant 112 : index
    %swap3A_49 = tpu.vector_load %arg6[%swap3A_48] {strides = array<i32>} : memref<128xf32, #tpu.memory_space<vmem>>, vector<16xf32>,
    %swap3A_50 = vector.shape_cast %swap3A_49 : vector<16xf32> to vector<16xf32>
    %swap3A_51 = vector.shape_cast %broadcast_in_dim3A_47 : vector<16xf32> to vector<16xf32>
    tpu.vector_store %arg6[%swap3A_48], %swap3A_51 {strides = array<i32>} : memref<128xf32, #tpu.memory_space<vmem>>, vector<16xf32>,
    %mul3A = arith.constant 640 : i32
    %mul3A_52 = arith.muli %arg1, %mul3A : i32
    "tpu.region"() ({
      %run_scoped3A = tpu.sem_alloc : memref<!tpu.dma_semaphore, #tpu.memory_space<semaphore_mem>>
      %dma_start3A = tpu.memref_slice %arg4[%mul3A_52] : memref<10240xf32, #tpu.memory_space<vmem_shared>> -> memref<640xf32, #tpu.memory_space<vmem_shared>>
      %dma_start3A_112 = tpu.memref_slice %arg4[%mul3A_52] : memref<10240xf32, #tpu.memory_space<vmem_shared>> -> memref<640xf32, #tpu.memory_space<vmem_shared>>
      tpu.enqueue_dma source(%arg5 : memref<640xf32, #tpu.memory_space<vmem>>) target(%dma_start3A_112 : memref<640xf32, #tpu.memory_space<vmem_shared>>) target_semaphore(%run_scoped3A : memref<!tpu.dma_semaphore, #tpu.memory_space<semaphore_mem>>)
      %dma_wait3A = tpu.memref_slice %arg4[%mul3A_52] : memref<10240xf32, #tpu.memory_space<vmem_shared>> -> memref<640xf32, #tpu.memory_space<vmem_shared>>
      %dma_wait3A_113 = tpu.memref_slice %arg4[%mul3A_52] : memref<10240xf32, #tpu.memory_space<vmem_shared>> -> memref<640xf32, #tpu.memory_space<vmem_shared>>
      tpu.wait_dma2 semaphore(%run_scoped3A : memref<!tpu.dma_semaphore, #tpu.memory_space<semaphore_mem>>) src(%arg5 : memref<640xf32, #tpu.memory_space<vmem>>) dst(%dma_wait3A_113 : memref<640xf32, #tpu.memory_space<vmem_shared>>)
      tpu.yield
    }) : () -> ()
    %barrier3A = arith.constant 0 : index
    tpu.barrier barrier_id(%barrier3A)
    %mul3A_53 = arith.constant 2 : i32
    %mul3A_54 = arith.muli %arg1, %mul3A_53 : i32
    %add3A = arith.addi %mul3A_54, %arg0 : i32
    %mul3A_55 = arith.constant 2500 : i32
    %mul3A_56 = arith.muli %add3A, %mul3A_55 : i32
    %jit3A = arith.constant 32 : i32
    %div3A = arith.divsi %mul3A_56, %jit3A : i32
    %sign3A = arith.constant 0 : i32
    %sign3A_57 = arith.cmpi sgt, %mul3A_56, %sign3A : i32
    %sign3A_58 = arith.extui %sign3A_57 : i1 to i32
    %sign3A_59 = arith.constant 0 : i32
    %sign3A_60 = arith.cmpi slt, %mul3A_56, %sign3A_59 : i32
    %sign3A_61 = arith.extui %sign3A_60 : i1 to i32
    %sign3A_62 = arith.subi %sign3A_58, %sign3A_61 : i32
    %sign3A_63 = arith.constant 0 : i32
    %sign3A_64 = arith.cmpi sgt, %jit3A, %sign3A_63 : i32
    %sign3A_65 = arith.extui %sign3A_64 : i1 to i32
    %sign3A_66 = arith.constant 0 : i32
    %sign3A_67 = arith.cmpi slt, %jit3A, %sign3A_66 : i32
    %sign3A_68 = arith.extui %sign3A_67 : i1 to i32
    %sign3A_69 = arith.subi %sign3A_65, %sign3A_68 : i32
    %ne3A = arith.cmpi ne, %sign3A_62, %sign3A_69 : i32
    %rem3A = arith.remsi %mul3A_56, %jit3A : i32
    %ne3A_70 = arith.constant 0 : i32
    %ne3A_71 = arith.cmpi ne, %rem3A, %ne3A_70 : i32
    %and3A = arith.andi %ne3A, %ne3A_71 : i1
    %sub3A = arith.constant 1 : i32
    %sub3A_72 = arith.subi %div3A, %sub3A : i32
    %select_n3A = arith.select %and3A, %sub3A_72, %div3A : i32
    %add3A_73 = arith.constant 1 : i32
    %add3A_74 = arith.addi %add3A, %add3A_73 : i32
    %mul3A_75 = arith.constant 2500 : i32
    %mul3A_76 = arith.muli %add3A_74, %mul3A_75 : i32
    %jit3A_77 = arith.constant 32 : i32
    %div3A_78 = arith.divsi %mul3A_76, %jit3A_77 : i32
    %sign3A_79 = arith.constant 0 : i32
    %sign3A_80 = arith.cmpi sgt, %mul3A_76, %sign3A_79 : i32
    %sign3A_81 = arith.extui %sign3A_80 : i1 to i32
    %sign3A_82 = arith.constant 0 : i32
    %sign3A_83 = arith.cmpi slt, %mul3A_76, %sign3A_82 : i32
    %sign3A_84 = arith.extui %sign3A_83 : i1 to i32
    %sign3A_85 = arith.subi %sign3A_81, %sign3A_84 : i32
    %sign3A_86 = arith.constant 0 : i32
    %sign3A_87 = arith.cmpi sgt, %jit3A_77, %sign3A_86 : i32
    %sign3A_88 = arith.extui %sign3A_87 : i1 to i32
    %sign3A_89 = arith.constant 0 : i32
    %sign3A_90 = arith.cmpi slt, %jit3A_77, %sign3A_89 : i32
    %sign3A_91 = arith.extui %sign3A_90 : i1 to i32
    %sign3A_92 = arith.subi %sign3A_88, %sign3A_91 : i32
    %ne3A_93 = arith.cmpi ne, %sign3A_85, %sign3A_92 : i32
    %rem3A_94 = arith.remsi %mul3A_76, %jit3A_77 : i32
    %ne3A_95 = arith.constant 0 : i32
    %ne3A_96 = arith.cmpi ne, %rem3A_94, %ne3A_95 : i32
    %and3A_97 = arith.andi %ne3A_93, %ne3A_96 : i1
    %sub3A_98 = arith.constant 1 : i32
    %sub3A_99 = arith.subi %div3A_78, %sub3A_98 : i32
    %select_n3A_100 = arith.select %and3A_97, %sub3A_99, %div3A_78 : i32
    %while3A = arith.constant 0 : i32
    %while3A_101 = arith.subi %select_n3A_100, %select_n3A : i32
    %while3A_102 = arith.addi %select_n3A, %while3A_101 : i32
    %while3A_103 = arith.constant 1 : i32
    %while3A_104 = arith.divsi %while3A_101, %while3A_103 : i32
    %while3A_105 = arith.muli %while3A_104, %while3A_103 : i32
    %while3A_106 = arith.addi %select_n3A, %while3A_105 : i32
    %while3A_107 = arith.constant 1 : i32
    %while3A_108 = scf.for %while3A_112 = %select_n3A to %while3A_106 step %while3A_107 iter_args(%while3A_113 = %while3A) -> (i32)  : i32 {
      "tpu.region"() ({
        %run_scoped3A = tpu.sem_alloc : memref<!tpu.dma_semaphore, #tpu.memory_space<semaphore_mem>>
        %dma_start3A = arith.constant 0 : i32
        %dma_start3A_115 = tpu.memref_slice %arg2[%while3A_112, %dma_start3A] : memref<2500x128xi32, #tpu.memory_space<hbm>> -> memref<1x128xi32, #tpu.memory_space<hbm>>
        %dma_start3A_116 = tpu.memref_squeeze %dma_start3A_115 : memref<1x128xi32, #tpu.memory_space<hbm>> -> memref<128xi32, #tpu.memory_space<hbm>>
        %dma_start3A_117 = arith.constant 0 : i32
        %dma_start3A_118 = tpu.memref_slice %arg2[%while3A_112, %dma_start3A_117] : memref<2500x128xi32, #tpu.memory_space<hbm>> -> memref<1x128xi32, #tpu.memory_space<hbm>>
        %dma_start3A_119 = tpu.memref_squeeze %dma_start3A_118 : memref<1x128xi32, #tpu.memory_space<hbm>> -> memref<128xi32, #tpu.memory_space<hbm>>
        tpu.enqueue_dma source(%dma_start3A_119 : memref<128xi32, #tpu.memory_space<hbm>>) target(%arg7 : memref<128xi32, #tpu.memory_space<vmem>>) target_semaphore(%run_scoped3A : memref<!tpu.dma_semaphore, #tpu.memory_space<semaphore_mem>>)
        %dma_wait3A = arith.constant 0 : i32
        %dma_wait3A_120 = tpu.memref_slice %arg2[%while3A_112, %dma_wait3A] : memref<2500x128xi32, #tpu.memory_space<hbm>> -> memref<1x128xi32, #tpu.memory_space<hbm>>
        %dma_wait3A_121 = tpu.memref_squeeze %dma_wait3A_120 : memref<1x128xi32, #tpu.memory_space<hbm>> -> memref<128xi32, #tpu.memory_space<hbm>>
        %dma_wait3A_122 = arith.constant 0 : i32
        %dma_wait3A_123 = tpu.memref_slice %arg2[%while3A_112, %dma_wait3A_122] : memref<2500x128xi32, #tpu.memory_space<hbm>> -> memref<1x128xi32, #tpu.memory_space<hbm>>
        %dma_wait3A_124 = tpu.memref_squeeze %dma_wait3A_123 : memref<1x128xi32, #tpu.memory_space<hbm>> -> memref<128xi32, #tpu.memory_space<hbm>>
        tpu.wait_dma2 semaphore(%run_scoped3A : memref<!tpu.dma_semaphore, #tpu.memory_space<semaphore_mem>>) src(%dma_wait3A_124 : memref<128xi32, #tpu.memory_space<hbm>>) dst(%arg7 : memref<128xi32, #tpu.memory_space<vmem>>)
        tpu.yield
      }) : () -> ()
      "tpu.region"() ({
        %run_scoped3A = tpu.sem_alloc : memref<!tpu.dma_semaphore, #tpu.memory_space<semaphore_mem>>
        %dma_start3A = arith.constant 0 : i32
        %dma_start3A_115 = tpu.memref_slice %arg4[%dma_start3A] : memref<10240xf32, #tpu.memory_space<vmem_shared>> -> memref<10240xf32, #tpu.memory_space<vmem_shared>>
        tpu.enqueue_indirect_dma source(%arg6 : memref<128xf32, #tpu.memory_space<vmem>>) target(%dma_start3A_115 : memref<10240xf32, #tpu.memory_space<vmem_shared>>) offsets(%arg7 : memref<128xi32, #tpu.memory_space<vmem>>) semaphore(%run_scoped3A : memref<!tpu.dma_semaphore, #tpu.memory_space<semaphore_mem>>) {add = true}
        %dma_wait3A = arith.constant 0 : i32
        %dma_wait3A_116 = tpu.memref_slice %arg4[%dma_wait3A] : memref<10240xf32, #tpu.memory_space<vmem_shared>> -> memref<10240xf32, #tpu.memory_space<vmem_shared>>
        tpu.wait_indirect_dma semaphore(%run_scoped3A : memref<!tpu.dma_semaphore, #tpu.memory_space<semaphore_mem>>) src(%arg6 : memref<128xf32, #tpu.memory_space<vmem>>) dst(%dma_wait3A_116 : memref<10240xf32, #tpu.memory_space<vmem_shared>>)
        tpu.yield
      }) : () -> ()
      %while3A_114 = arith.constant 0 : i32
      scf.yield %while3A_114 : i32
    }
    %while3A_109 = arith.constant 1 : i32
    %while3A_110 = scf.for %while3A_112 = %while3A_106 to %while3A_102 step %while3A_109 iter_args(%while3A_113 = %while3A_108) -> (i32)  : i32 {
      "tpu.region"() ({
        %run_scoped3A = tpu.sem_alloc : memref<!tpu.dma_semaphore, #tpu.memory_space<semaphore_mem>>
        %dma_start3A = arith.constant 0 : i32
        %dma_start3A_115 = tpu.memref_slice %arg2[%while3A_112, %dma_start3A] : memref<2500x128xi32, #tpu.memory_space<hbm>> -> memref<1x128xi32, #tpu.memory_space<hbm>>
        %dma_start3A_116 = tpu.memref_squeeze %dma_start3A_115 : memref<1x128xi32, #tpu.memory_space<hbm>> -> memref<128xi32, #tpu.memory_space<hbm>>
        %dma_start3A_117 = arith.constant 0 : i32
        %dma_start3A_118 = tpu.memref_slice %arg2[%while3A_112, %dma_start3A_117] : memref<2500x128xi32, #tpu.memory_space<hbm>> -> memref<1x128xi32, #tpu.memory_space<hbm>>
        %dma_start3A_119 = tpu.memref_squeeze %dma_start3A_118 : memref<1x128xi32, #tpu.memory_space<hbm>> -> memref<128xi32, #tpu.memory_space<hbm>>
        tpu.enqueue_dma source(%dma_start3A_119 : memref<128xi32, #tpu.memory_space<hbm>>) target(%arg7 : memref<128xi32, #tpu.memory_space<vmem>>) target_semaphore(%run_scoped3A : memref<!tpu.dma_semaphore, #tpu.memory_space<semaphore_mem>>)
        %dma_wait3A = arith.constant 0 : i32
        %dma_wait3A_120 = tpu.memref_slice %arg2[%while3A_112, %dma_wait3A] : memref<2500x128xi32, #tpu.memory_space<hbm>> -> memref<1x128xi32, #tpu.memory_space<hbm>>
        %dma_wait3A_121 = tpu.memref_squeeze %dma_wait3A_120 : memref<1x128xi32, #tpu.memory_space<hbm>> -> memref<128xi32, #tpu.memory_space<hbm>>
        %dma_wait3A_122 = arith.constant 0 : i32
        %dma_wait3A_123 = tpu.memref_slice %arg2[%while3A_112, %dma_wait3A_122] : memref<2500x128xi32, #tpu.memory_space<hbm>> -> memref<1x128xi32, #tpu.memory_space<hbm>>
        %dma_wait3A_124 = tpu.memref_squeeze %dma_wait3A_123 : memref<1x128xi32, #tpu.memory_space<hbm>> -> memref<128xi32, #tpu.memory_space<hbm>>
        tpu.wait_dma2 semaphore(%run_scoped3A : memref<!tpu.dma_semaphore, #tpu.memory_space<semaphore_mem>>) src(%dma_wait3A_124 : memref<128xi32, #tpu.memory_space<hbm>>) dst(%arg7 : memref<128xi32, #tpu.memory_space<vmem>>)
        tpu.yield
      }) : () -> ()
      "tpu.region"() ({
        %run_scoped3A = tpu.sem_alloc : memref<!tpu.dma_semaphore, #tpu.memory_space<semaphore_mem>>
        %dma_start3A = arith.constant 0 : i32
        %dma_start3A_115 = tpu.memref_slice %arg4[%dma_start3A] : memref<10240xf32, #tpu.memory_space<vmem_shared>> -> memref<10240xf32, #tpu.memory_space<vmem_shared>>
        tpu.enqueue_indirect_dma source(%arg6 : memref<128xf32, #tpu.memory_space<vmem>>) target(%dma_start3A_115 : memref<10240xf32, #tpu.memory_space<vmem_shared>>) offsets(%arg7 : memref<128xi32, #tpu.memory_space<vmem>>) semaphore(%run_scoped3A : memref<!tpu.dma_semaphore, #tpu.memory_space<semaphore_mem>>) {add = true}
        %dma_wait3A = arith.constant 0 : i32
        %dma_wait3A_116 = tpu.memref_slice %arg4[%dma_wait3A] : memref<10240xf32, #tpu.memory_space<vmem_shared>> -> memref<10240xf32, #tpu.memory_space<vmem_shared>>
        tpu.wait_indirect_dma semaphore(%run_scoped3A : memref<!tpu.dma_semaphore, #tpu.memory_space<semaphore_mem>>) src(%arg6 : memref<128xf32, #tpu.memory_space<vmem>>) dst(%dma_wait3A_116 : memref<10240xf32, #tpu.memory_space<vmem_shared>>)
        tpu.yield
      }) : () -> ()
      %while3A_114 = arith.constant 0 : i32
      scf.yield %while3A_114 : i32
    }
    %barrier3A_111 = arith.constant 0 : index
    tpu.barrier barrier_id(%barrier3A_111)
    "tpu.region"() ({
      %run_scoped3A = tpu.sem_alloc : memref<!tpu.dma_semaphore, #tpu.memory_space<semaphore_mem>>
      %dma_start3A = tpu.memref_slice %arg4[%mul3A_52] : memref<10240xf32, #tpu.memory_space<vmem_shared>> -> memref<640xf32, #tpu.memory_space<vmem_shared>>
      %dma_start3A_112 = tpu.memref_slice %arg4[%mul3A_52] : memref<10240xf32, #tpu.memory_space<vmem_shared>> -> memref<640xf32, #tpu.memory_space<vmem_shared>>
      tpu.enqueue_dma source(%dma_start3A_112 : memref<640xf32, #tpu.memory_space<vmem_shared>>) target(%arg5 : memref<640xf32, #tpu.memory_space<vmem>>) target_semaphore(%run_scoped3A : memref<!tpu.dma_semaphore, #tpu.memory_space<semaphore_mem>>)
      %dma_wait3A = tpu.memref_slice %arg4[%mul3A_52] : memref<10240xf32, #tpu.memory_space<vmem_shared>> -> memref<640xf32, #tpu.memory_space<vmem_shared>>
      %dma_wait3A_113 = tpu.memref_slice %arg4[%mul3A_52] : memref<10240xf32, #tpu.memory_space<vmem_shared>> -> memref<640xf32, #tpu.memory_space<vmem_shared>>
      tpu.wait_dma2 semaphore(%run_scoped3A : memref<!tpu.dma_semaphore, #tpu.memory_space<semaphore_mem>>) src(%dma_wait3A_113 : memref<640xf32, #tpu.memory_space<vmem_shared>>) dst(%arg5 : memref<640xf32, #tpu.memory_space<vmem>>)
      tpu.yield
    }) : () -> ()
    "tpu.region"() ({
      %run_scoped3A = tpu.sem_alloc : memref<!tpu.dma_semaphore, #tpu.memory_space<semaphore_mem>>
      %dma_start3A = tpu.memref_slice %arg3[%arg0, %mul3A_52] : memref<2x10240xf32, #tpu.memory_space<hbm>> -> memref<1x640xf32, #tpu.memory_space<hbm>>
      %dma_start3A_112 = tpu.memref_squeeze %dma_start3A : memref<1x640xf32, #tpu.memory_space<hbm>> -> memref<640xf32, #tpu.memory_space<hbm>>
      %dma_start3A_113 = tpu.memref_slice %arg3[%arg0, %mul3A_52] : memref<2x10240xf32, #tpu.memory_space<hbm>> -> memref<1x640xf32, #tpu.memory_space<hbm>>
      %dma_start3A_114 = tpu.memref_squeeze %dma_start3A_113 : memref<1x640xf32, #tpu.memory_space<hbm>> -> memref<640xf32, #tpu.memory_space<hbm>>
      tpu.enqueue_dma source(%arg5 : memref<640xf32, #tpu.memory_space<vmem>>) target(%dma_start3A_114 : memref<640xf32, #tpu.memory_space<hbm>>) target_semaphore(%run_scoped3A : memref<!tpu.dma_semaphore, #tpu.memory_space<semaphore_mem>>)
      %dma_wait3A = tpu.memref_slice %arg3[%arg0, %mul3A_52] : memref<2x10240xf32, #tpu.memory_space<hbm>> -> memref<1x640xf32, #tpu.memory_space<hbm>>
      %dma_wait3A_115 = tpu.memref_squeeze %dma_wait3A : memref<1x640xf32, #tpu.memory_space<hbm>> -> memref<640xf32, #tpu.memory_space<hbm>>
      %dma_wait3A_116 = tpu.memref_slice %arg3[%arg0, %mul3A_52] : memref<2x10240xf32, #tpu.memory_space<hbm>> -> memref<1x640xf32, #tpu.memory_space<hbm>>
      %dma_wait3A_117 = tpu.memref_squeeze %dma_wait3A_116 : memref<1x640xf32, #tpu.memory_space<hbm>> -> memref<640xf32, #tpu.memory_space<hbm>>
      tpu.wait_dma2 semaphore(%run_scoped3A : memref<!tpu.dma_semaphore, #tpu.memory_space<semaphore_mem>>) src(%arg5 : memref<640xf32, #tpu.memory_space<vmem>>) dst(%dma_wait3A_117 : memref<640xf32, #tpu.memory_space<hbm>>)
      tpu.yield
    }) : () -> ()
    return
  }
}

#map = affine_map<(d0, d1) -> (0, 0)>
#map1 = affine_map<(d0, d1) -> (0, 0, 0)>
module attributes {stable_mosaic.version = 14 : i64} {
  func.func @scatter_kernel(%arg0: i32, %arg1: i32, %arg2: memref<2500x128xi32, #tpu.memory_space<hbm>>, %arg3: memref<2500x128xi32, #tpu.memory_space<hbm>>, %arg4: memref<10240x16xf32, #tpu.memory_space<hbm>>, %arg5: memref<2x10240x16xf32, #tpu.memory_space<hbm>>, %arg6: memref<10240x16xf32, #tpu.memory_space<vmem_shared>>, %arg7: memref<10240x16xf32, #tpu.memory_space<vmem_shared>>, %arg8: memref<640x16xf32, #tpu.memory_space<vmem>>, %arg9: memref<128xi32, #tpu.memory_space<vmem>>, %arg10: memref<128xi32, #tpu.memory_space<vmem>>, %arg11: memref<128x16xf32, #tpu.memory_space<vmem>>) attributes {dimension_semantics = [#tpu.dimension_semantics<core_parallel>, #tpu.dimension_semantics<subcore_parallel>], iteration_bounds = array<i64: 2, 16>, scalar_prefetch = 0 : i64, scratch_operands = 6 : i64, tpu.core_type = #tpu.core_type<sc_vector_subcore>, window_params = [{transform_indices = #map}, {transform_indices = #map}, {transform_indices = #map}, {transform_indices = #map1}]} {
    %mul3A = arith.constant 640 : i32
    %mul3A_0 = arith.muli %arg1, %mul3A : i32
    "tpu.region"() ({
      %run_scoped3A = tpu.sem_alloc : memref<!tpu.dma_semaphore, #tpu.memory_space<semaphore_mem>>
      %dma_start3A = arith.constant 0 : i32
      %dma_start3A_60 = tpu.memref_slice %arg4[%mul3A_0, %dma_start3A] : memref<10240x16xf32, #tpu.memory_space<hbm>> -> memref<640x16xf32, #tpu.memory_space<hbm>>
      %dma_start3A_61 = arith.constant 0 : i32
      %dma_start3A_62 = tpu.memref_slice %arg4[%mul3A_0, %dma_start3A_61] : memref<10240x16xf32, #tpu.memory_space<hbm>> -> memref<640x16xf32, #tpu.memory_space<hbm>>
      tpu.enqueue_dma source(%dma_start3A_62 : memref<640x16xf32, #tpu.memory_space<hbm>>) target(%arg8 : memref<640x16xf32, #tpu.memory_space<vmem>>) target_semaphore(%run_scoped3A : memref<!tpu.dma_semaphore, #tpu.memory_space<semaphore_mem>>)
      %dma_wait3A = arith.constant 0 : i32
      %dma_wait3A_63 = tpu.memref_slice %arg4[%mul3A_0, %dma_wait3A] : memref<10240x16xf32, #tpu.memory_space<hbm>> -> memref<640x16xf32, #tpu.memory_space<hbm>>
      %dma_wait3A_64 = arith.constant 0 : i32
      %dma_wait3A_65 = tpu.memref_slice %arg4[%mul3A_0, %dma_wait3A_64] : memref<10240x16xf32, #tpu.memory_space<hbm>> -> memref<640x16xf32, #tpu.memory_space<hbm>>
      tpu.wait_dma2 semaphore(%run_scoped3A : memref<!tpu.dma_semaphore, #tpu.memory_space<semaphore_mem>>) src(%dma_wait3A_65 : memref<640x16xf32, #tpu.memory_space<hbm>>) dst(%arg8 : memref<640x16xf32, #tpu.memory_space<vmem>>)
      tpu.yield
    }) : () -> ()
    "tpu.region"() ({
      %run_scoped3A = tpu.sem_alloc : memref<!tpu.dma_semaphore, #tpu.memory_space<semaphore_mem>>
      %dma_start3A = arith.constant 0 : i32
      %dma_start3A_60 = tpu.memref_slice %arg6[%mul3A_0, %dma_start3A] : memref<10240x16xf32, #tpu.memory_space<vmem_shared>> -> memref<640x16xf32, #tpu.memory_space<vmem_shared>>
      %dma_start3A_61 = arith.constant 0 : i32
      %dma_start3A_62 = tpu.memref_slice %arg6[%mul3A_0, %dma_start3A_61] : memref<10240x16xf32, #tpu.memory_space<vmem_shared>> -> memref<640x16xf32, #tpu.memory_space<vmem_shared>>
      tpu.enqueue_dma source(%arg8 : memref<640x16xf32, #tpu.memory_space<vmem>>) target(%dma_start3A_62 : memref<640x16xf32, #tpu.memory_space<vmem_shared>>) target_semaphore(%run_scoped3A : memref<!tpu.dma_semaphore, #tpu.memory_space<semaphore_mem>>)
      %dma_wait3A = arith.constant 0 : i32
      %dma_wait3A_63 = tpu.memref_slice %arg6[%mul3A_0, %dma_wait3A] : memref<10240x16xf32, #tpu.memory_space<vmem_shared>> -> memref<640x16xf32, #tpu.memory_space<vmem_shared>>
      %dma_wait3A_64 = arith.constant 0 : i32
      %dma_wait3A_65 = tpu.memref_slice %arg6[%mul3A_0, %dma_wait3A_64] : memref<10240x16xf32, #tpu.memory_space<vmem_shared>> -> memref<640x16xf32, #tpu.memory_space<vmem_shared>>
      tpu.wait_dma2 semaphore(%run_scoped3A : memref<!tpu.dma_semaphore, #tpu.memory_space<semaphore_mem>>) src(%arg8 : memref<640x16xf32, #tpu.memory_space<vmem>>) dst(%dma_wait3A_65 : memref<640x16xf32, #tpu.memory_space<vmem_shared>>)
      tpu.yield
    }) : () -> ()
    "tpu.region"() ({
      %run_scoped3A = tpu.sem_alloc : memref<!tpu.dma_semaphore, #tpu.memory_space<semaphore_mem>>
      %dma_start3A = arith.constant 0 : i32
      %dma_start3A_60 = tpu.memref_slice %arg7[%mul3A_0, %dma_start3A] : memref<10240x16xf32, #tpu.memory_space<vmem_shared>> -> memref<640x16xf32, #tpu.memory_space<vmem_shared>>
      %dma_start3A_61 = arith.constant 0 : i32
      %dma_start3A_62 = tpu.memref_slice %arg7[%mul3A_0, %dma_start3A_61] : memref<10240x16xf32, #tpu.memory_space<vmem_shared>> -> memref<640x16xf32, #tpu.memory_space<vmem_shared>>
      tpu.enqueue_dma source(%arg8 : memref<640x16xf32, #tpu.memory_space<vmem>>) target(%dma_start3A_62 : memref<640x16xf32, #tpu.memory_space<vmem_shared>>) target_semaphore(%run_scoped3A : memref<!tpu.dma_semaphore, #tpu.memory_space<semaphore_mem>>)
      %dma_wait3A = arith.constant 0 : i32
      %dma_wait3A_63 = tpu.memref_slice %arg7[%mul3A_0, %dma_wait3A] : memref<10240x16xf32, #tpu.memory_space<vmem_shared>> -> memref<640x16xf32, #tpu.memory_space<vmem_shared>>
      %dma_wait3A_64 = arith.constant 0 : i32
      %dma_wait3A_65 = tpu.memref_slice %arg7[%mul3A_0, %dma_wait3A_64] : memref<10240x16xf32, #tpu.memory_space<vmem_shared>> -> memref<640x16xf32, #tpu.memory_space<vmem_shared>>
      tpu.wait_dma2 semaphore(%run_scoped3A : memref<!tpu.dma_semaphore, #tpu.memory_space<semaphore_mem>>) src(%arg8 : memref<640x16xf32, #tpu.memory_space<vmem>>) dst(%dma_wait3A_65 : memref<640x16xf32, #tpu.memory_space<vmem_shared>>)
      tpu.yield
    }) : () -> ()
    %barrier3A = arith.constant 0 : index
    tpu.barrier barrier_id(%barrier3A)
    %mul3A_1 = arith.constant 2 : i32
    %mul3A_2 = arith.muli %arg1, %mul3A_1 : i32
    %add3A = arith.addi %mul3A_2, %arg0 : i32
    %mul3A_3 = arith.constant 2500 : i32
    %mul3A_4 = arith.muli %add3A, %mul3A_3 : i32
    %jit3A = arith.constant 32 : i32
    %div3A = arith.divsi %mul3A_4, %jit3A : i32
    %sign3A = arith.constant 0 : i32
    %sign3A_5 = arith.cmpi sgt, %mul3A_4, %sign3A : i32
    %sign3A_6 = arith.extui %sign3A_5 : i1 to i32
    %sign3A_7 = arith.constant 0 : i32
    %sign3A_8 = arith.cmpi slt, %mul3A_4, %sign3A_7 : i32
    %sign3A_9 = arith.extui %sign3A_8 : i1 to i32
    %sign3A_10 = arith.subi %sign3A_6, %sign3A_9 : i32
    %sign3A_11 = arith.constant 0 : i32
    %sign3A_12 = arith.cmpi sgt, %jit3A, %sign3A_11 : i32
    %sign3A_13 = arith.extui %sign3A_12 : i1 to i32
    %sign3A_14 = arith.constant 0 : i32
    %sign3A_15 = arith.cmpi slt, %jit3A, %sign3A_14 : i32
    %sign3A_16 = arith.extui %sign3A_15 : i1 to i32
    %sign3A_17 = arith.subi %sign3A_13, %sign3A_16 : i32
    %ne3A = arith.cmpi ne, %sign3A_10, %sign3A_17 : i32
    %rem3A = arith.remsi %mul3A_4, %jit3A : i32
    %ne3A_18 = arith.constant 0 : i32
    %ne3A_19 = arith.cmpi ne, %rem3A, %ne3A_18 : i32
    %and3A = arith.andi %ne3A, %ne3A_19 : i1
    %sub3A = arith.constant 1 : i32
    %sub3A_20 = arith.subi %div3A, %sub3A : i32
    %select_n3A = arith.select %and3A, %sub3A_20, %div3A : i32
    %add3A_21 = arith.constant 1 : i32
    %add3A_22 = arith.addi %add3A, %add3A_21 : i32
    %mul3A_23 = arith.constant 2500 : i32
    %mul3A_24 = arith.muli %add3A_22, %mul3A_23 : i32
    %jit3A_25 = arith.constant 32 : i32
    %div3A_26 = arith.divsi %mul3A_24, %jit3A_25 : i32
    %sign3A_27 = arith.constant 0 : i32
    %sign3A_28 = arith.cmpi sgt, %mul3A_24, %sign3A_27 : i32
    %sign3A_29 = arith.extui %sign3A_28 : i1 to i32
    %sign3A_30 = arith.constant 0 : i32
    %sign3A_31 = arith.cmpi slt, %mul3A_24, %sign3A_30 : i32
    %sign3A_32 = arith.extui %sign3A_31 : i1 to i32
    %sign3A_33 = arith.subi %sign3A_29, %sign3A_32 : i32
    %sign3A_34 = arith.constant 0 : i32
    %sign3A_35 = arith.cmpi sgt, %jit3A_25, %sign3A_34 : i32
    %sign3A_36 = arith.extui %sign3A_35 : i1 to i32
    %sign3A_37 = arith.constant 0 : i32
    %sign3A_38 = arith.cmpi slt, %jit3A_25, %sign3A_37 : i32
    %sign3A_39 = arith.extui %sign3A_38 : i1 to i32
    %sign3A_40 = arith.subi %sign3A_36, %sign3A_39 : i32
    %ne3A_41 = arith.cmpi ne, %sign3A_33, %sign3A_40 : i32
    %rem3A_42 = arith.remsi %mul3A_24, %jit3A_25 : i32
    %ne3A_43 = arith.constant 0 : i32
    %ne3A_44 = arith.cmpi ne, %rem3A_42, %ne3A_43 : i32
    %and3A_45 = arith.andi %ne3A_41, %ne3A_44 : i1
    %sub3A_46 = arith.constant 1 : i32
    %sub3A_47 = arith.subi %div3A_26, %sub3A_46 : i32
    %select_n3A_48 = arith.select %and3A_45, %sub3A_47, %div3A_26 : i32
    %while3A = arith.constant 0 : i32
    %while3A_49 = arith.subi %select_n3A_48, %select_n3A : i32
    %while3A_50 = arith.addi %select_n3A, %while3A_49 : i32
    %while3A_51 = arith.constant 1 : i32
    %while3A_52 = arith.divsi %while3A_49, %while3A_51 : i32
    %while3A_53 = arith.muli %while3A_52, %while3A_51 : i32
    %while3A_54 = arith.addi %select_n3A, %while3A_53 : i32
    %while3A_55 = arith.constant 1 : i32
    %while3A_56 = scf.for %while3A_60 = %select_n3A to %while3A_54 step %while3A_55 iter_args(%while3A_61 = %while3A) -> (i32)  : i32 {
      "tpu.region"() ({
        %run_scoped3A = tpu.sem_alloc : memref<!tpu.dma_semaphore, #tpu.memory_space<semaphore_mem>>
        %dma_start3A = arith.constant 0 : i32
        %dma_start3A_63 = tpu.memref_slice %arg2[%while3A_60, %dma_start3A] : memref<2500x128xi32, #tpu.memory_space<hbm>> -> memref<1x128xi32, #tpu.memory_space<hbm>>
        %dma_start3A_64 = tpu.memref_squeeze %dma_start3A_63 : memref<1x128xi32, #tpu.memory_space<hbm>> -> memref<128xi32, #tpu.memory_space<hbm>>
        %dma_start3A_65 = arith.constant 0 : i32
        %dma_start3A_66 = tpu.memref_slice %arg2[%while3A_60, %dma_start3A_65] : memref<2500x128xi32, #tpu.memory_space<hbm>> -> memref<1x128xi32, #tpu.memory_space<hbm>>
        %dma_start3A_67 = tpu.memref_squeeze %dma_start3A_66 : memref<1x128xi32, #tpu.memory_space<hbm>> -> memref<128xi32, #tpu.memory_space<hbm>>
        tpu.enqueue_dma source(%dma_start3A_67 : memref<128xi32, #tpu.memory_space<hbm>>) target(%arg9 : memref<128xi32, #tpu.memory_space<vmem>>) target_semaphore(%run_scoped3A : memref<!tpu.dma_semaphore, #tpu.memory_space<semaphore_mem>>)
        %dma_wait3A = arith.constant 0 : i32
        %dma_wait3A_68 = tpu.memref_slice %arg2[%while3A_60, %dma_wait3A] : memref<2500x128xi32, #tpu.memory_space<hbm>> -> memref<1x128xi32, #tpu.memory_space<hbm>>
        %dma_wait3A_69 = tpu.memref_squeeze %dma_wait3A_68 : memref<1x128xi32, #tpu.memory_space<hbm>> -> memref<128xi32, #tpu.memory_space<hbm>>
        %dma_wait3A_70 = arith.constant 0 : i32
        %dma_wait3A_71 = tpu.memref_slice %arg2[%while3A_60, %dma_wait3A_70] : memref<2500x128xi32, #tpu.memory_space<hbm>> -> memref<1x128xi32, #tpu.memory_space<hbm>>
        %dma_wait3A_72 = tpu.memref_squeeze %dma_wait3A_71 : memref<1x128xi32, #tpu.memory_space<hbm>> -> memref<128xi32, #tpu.memory_space<hbm>>
        tpu.wait_dma2 semaphore(%run_scoped3A : memref<!tpu.dma_semaphore, #tpu.memory_space<semaphore_mem>>) src(%dma_wait3A_72 : memref<128xi32, #tpu.memory_space<hbm>>) dst(%arg9 : memref<128xi32, #tpu.memory_space<vmem>>)
        tpu.yield
      }) : () -> ()
      "tpu.region"() ({
        %run_scoped3A = tpu.sem_alloc : memref<!tpu.dma_semaphore, #tpu.memory_space<semaphore_mem>>
        %dma_start3A = arith.constant 0 : i32
        %dma_start3A_63 = tpu.memref_slice %arg3[%while3A_60, %dma_start3A] : memref<2500x128xi32, #tpu.memory_space<hbm>> -> memref<1x128xi32, #tpu.memory_space<hbm>>
        %dma_start3A_64 = tpu.memref_squeeze %dma_start3A_63 : memref<1x128xi32, #tpu.memory_space<hbm>> -> memref<128xi32, #tpu.memory_space<hbm>>
        %dma_start3A_65 = arith.constant 0 : i32
        %dma_start3A_66 = tpu.memref_slice %arg3[%while3A_60, %dma_start3A_65] : memref<2500x128xi32, #tpu.memory_space<hbm>> -> memref<1x128xi32, #tpu.memory_space<hbm>>
        %dma_start3A_67 = tpu.memref_squeeze %dma_start3A_66 : memref<1x128xi32, #tpu.memory_space<hbm>> -> memref<128xi32, #tpu.memory_space<hbm>>
        tpu.enqueue_dma source(%dma_start3A_67 : memref<128xi32, #tpu.memory_space<hbm>>) target(%arg10 : memref<128xi32, #tpu.memory_space<vmem>>) target_semaphore(%run_scoped3A : memref<!tpu.dma_semaphore, #tpu.memory_space<semaphore_mem>>)
        %dma_wait3A = arith.constant 0 : i32
        %dma_wait3A_68 = tpu.memref_slice %arg3[%while3A_60, %dma_wait3A] : memref<2500x128xi32, #tpu.memory_space<hbm>> -> memref<1x128xi32, #tpu.memory_space<hbm>>
        %dma_wait3A_69 = tpu.memref_squeeze %dma_wait3A_68 : memref<1x128xi32, #tpu.memory_space<hbm>> -> memref<128xi32, #tpu.memory_space<hbm>>
        %dma_wait3A_70 = arith.constant 0 : i32
        %dma_wait3A_71 = tpu.memref_slice %arg3[%while3A_60, %dma_wait3A_70] : memref<2500x128xi32, #tpu.memory_space<hbm>> -> memref<1x128xi32, #tpu.memory_space<hbm>>
        %dma_wait3A_72 = tpu.memref_squeeze %dma_wait3A_71 : memref<1x128xi32, #tpu.memory_space<hbm>> -> memref<128xi32, #tpu.memory_space<hbm>>
        tpu.wait_dma2 semaphore(%run_scoped3A : memref<!tpu.dma_semaphore, #tpu.memory_space<semaphore_mem>>) src(%dma_wait3A_72 : memref<128xi32, #tpu.memory_space<hbm>>) dst(%arg10 : memref<128xi32, #tpu.memory_space<vmem>>)
        tpu.yield
      }) : () -> ()
      "tpu.region"() ({
        %run_scoped3A = tpu.sem_alloc : memref<!tpu.dma_semaphore, #tpu.memory_space<semaphore_mem>>
        %dma_start3A = arith.constant 0 : i32
        %dma_start3A_63 = arith.constant 0 : i32
        %dma_start3A_64 = tpu.memref_slice %arg6[%dma_start3A, %dma_start3A_63] : memref<10240x16xf32, #tpu.memory_space<vmem_shared>> -> memref<10240x16xf32, #tpu.memory_space<vmem_shared>>
        tpu.enqueue_indirect_dma source(%dma_start3A_64 : memref<10240x16xf32, #tpu.memory_space<vmem_shared>>) target(%arg11 : memref<128x16xf32, #tpu.memory_space<vmem>>) offsets(%arg9 : memref<128xi32, #tpu.memory_space<vmem>>) semaphore(%run_scoped3A : memref<!tpu.dma_semaphore, #tpu.memory_space<semaphore_mem>>)
        %dma_wait3A = arith.constant 0 : i32
        %dma_wait3A_65 = arith.constant 0 : i32
        %dma_wait3A_66 = tpu.memref_slice %arg6[%dma_wait3A, %dma_wait3A_65] : memref<10240x16xf32, #tpu.memory_space<vmem_shared>> -> memref<10240x16xf32, #tpu.memory_space<vmem_shared>>
        tpu.wait_indirect_dma semaphore(%run_scoped3A : memref<!tpu.dma_semaphore, #tpu.memory_space<semaphore_mem>>) src(%dma_wait3A_66 : memref<10240x16xf32, #tpu.memory_space<vmem_shared>>) dst(%arg11 : memref<128x16xf32, #tpu.memory_space<vmem>>)
        tpu.yield
      }) : () -> ()
      "tpu.region"() ({
        %run_scoped3A = tpu.sem_alloc : memref<!tpu.dma_semaphore, #tpu.memory_space<semaphore_mem>>
        %dma_start3A = arith.constant 0 : i32
        %dma_start3A_63 = arith.constant 0 : i32
        %dma_start3A_64 = tpu.memref_slice %arg7[%dma_start3A, %dma_start3A_63] : memref<10240x16xf32, #tpu.memory_space<vmem_shared>> -> memref<10240x16xf32, #tpu.memory_space<vmem_shared>>
        tpu.enqueue_indirect_dma source(%arg11 : memref<128x16xf32, #tpu.memory_space<vmem>>) target(%dma_start3A_64 : memref<10240x16xf32, #tpu.memory_space<vmem_shared>>) offsets(%arg10 : memref<128xi32, #tpu.memory_space<vmem>>) semaphore(%run_scoped3A : memref<!tpu.dma_semaphore, #tpu.memory_space<semaphore_mem>>) {add = true}
        %dma_wait3A = arith.constant 0 : i32
        %dma_wait3A_65 = arith.constant 0 : i32
        %dma_wait3A_66 = tpu.memref_slice %arg7[%dma_wait3A, %dma_wait3A_65] : memref<10240x16xf32, #tpu.memory_space<vmem_shared>> -> memref<10240x16xf32, #tpu.memory_space<vmem_shared>>
        tpu.wait_indirect_dma semaphore(%run_scoped3A : memref<!tpu.dma_semaphore, #tpu.memory_space<semaphore_mem>>) src(%arg11 : memref<128x16xf32, #tpu.memory_space<vmem>>) dst(%dma_wait3A_66 : memref<10240x16xf32, #tpu.memory_space<vmem_shared>>)
        tpu.yield
      }) : () -> ()
      %while3A_62 = arith.constant 0 : i32
      scf.yield %while3A_62 : i32
    }
    %while3A_57 = arith.constant 1 : i32
    %while3A_58 = scf.for %while3A_60 = %while3A_54 to %while3A_50 step %while3A_57 iter_args(%while3A_61 = %while3A_56) -> (i32)  : i32 {
      "tpu.region"() ({
        %run_scoped3A = tpu.sem_alloc : memref<!tpu.dma_semaphore, #tpu.memory_space<semaphore_mem>>
        %dma_start3A = arith.constant 0 : i32
        %dma_start3A_63 = tpu.memref_slice %arg2[%while3A_60, %dma_start3A] : memref<2500x128xi32, #tpu.memory_space<hbm>> -> memref<1x128xi32, #tpu.memory_space<hbm>>
        %dma_start3A_64 = tpu.memref_squeeze %dma_start3A_63 : memref<1x128xi32, #tpu.memory_space<hbm>> -> memref<128xi32, #tpu.memory_space<hbm>>
        %dma_start3A_65 = arith.constant 0 : i32
        %dma_start3A_66 = tpu.memref_slice %arg2[%while3A_60, %dma_start3A_65] : memref<2500x128xi32, #tpu.memory_space<hbm>> -> memref<1x128xi32, #tpu.memory_space<hbm>>
        %dma_start3A_67 = tpu.memref_squeeze %dma_start3A_66 : memref<1x128xi32, #tpu.memory_space<hbm>> -> memref<128xi32, #tpu.memory_space<hbm>>
        tpu.enqueue_dma source(%dma_start3A_67 : memref<128xi32, #tpu.memory_space<hbm>>) target(%arg9 : memref<128xi32, #tpu.memory_space<vmem>>) target_semaphore(%run_scoped3A : memref<!tpu.dma_semaphore, #tpu.memory_space<semaphore_mem>>)
        %dma_wait3A = arith.constant 0 : i32
        %dma_wait3A_68 = tpu.memref_slice %arg2[%while3A_60, %dma_wait3A] : memref<2500x128xi32, #tpu.memory_space<hbm>> -> memref<1x128xi32, #tpu.memory_space<hbm>>
        %dma_wait3A_69 = tpu.memref_squeeze %dma_wait3A_68 : memref<1x128xi32, #tpu.memory_space<hbm>> -> memref<128xi32, #tpu.memory_space<hbm>>
        %dma_wait3A_70 = arith.constant 0 : i32
        %dma_wait3A_71 = tpu.memref_slice %arg2[%while3A_60, %dma_wait3A_70] : memref<2500x128xi32, #tpu.memory_space<hbm>> -> memref<1x128xi32, #tpu.memory_space<hbm>>
        %dma_wait3A_72 = tpu.memref_squeeze %dma_wait3A_71 : memref<1x128xi32, #tpu.memory_space<hbm>> -> memref<128xi32, #tpu.memory_space<hbm>>
        tpu.wait_dma2 semaphore(%run_scoped3A : memref<!tpu.dma_semaphore, #tpu.memory_space<semaphore_mem>>) src(%dma_wait3A_72 : memref<128xi32, #tpu.memory_space<hbm>>) dst(%arg9 : memref<128xi32, #tpu.memory_space<vmem>>)
        tpu.yield
      }) : () -> ()
      "tpu.region"() ({
        %run_scoped3A = tpu.sem_alloc : memref<!tpu.dma_semaphore, #tpu.memory_space<semaphore_mem>>
        %dma_start3A = arith.constant 0 : i32
        %dma_start3A_63 = tpu.memref_slice %arg3[%while3A_60, %dma_start3A] : memref<2500x128xi32, #tpu.memory_space<hbm>> -> memref<1x128xi32, #tpu.memory_space<hbm>>
        %dma_start3A_64 = tpu.memref_squeeze %dma_start3A_63 : memref<1x128xi32, #tpu.memory_space<hbm>> -> memref<128xi32, #tpu.memory_space<hbm>>
        %dma_start3A_65 = arith.constant 0 : i32
        %dma_start3A_66 = tpu.memref_slice %arg3[%while3A_60, %dma_start3A_65] : memref<2500x128xi32, #tpu.memory_space<hbm>> -> memref<1x128xi32, #tpu.memory_space<hbm>>
        %dma_start3A_67 = tpu.memref_squeeze %dma_start3A_66 : memref<1x128xi32, #tpu.memory_space<hbm>> -> memref<128xi32, #tpu.memory_space<hbm>>
        tpu.enqueue_dma source(%dma_start3A_67 : memref<128xi32, #tpu.memory_space<hbm>>) target(%arg10 : memref<128xi32, #tpu.memory_space<vmem>>) target_semaphore(%run_scoped3A : memref<!tpu.dma_semaphore, #tpu.memory_space<semaphore_mem>>)
        %dma_wait3A = arith.constant 0 : i32
        %dma_wait3A_68 = tpu.memref_slice %arg3[%while3A_60, %dma_wait3A] : memref<2500x128xi32, #tpu.memory_space<hbm>> -> memref<1x128xi32, #tpu.memory_space<hbm>>
        %dma_wait3A_69 = tpu.memref_squeeze %dma_wait3A_68 : memref<1x128xi32, #tpu.memory_space<hbm>> -> memref<128xi32, #tpu.memory_space<hbm>>
        %dma_wait3A_70 = arith.constant 0 : i32
        %dma_wait3A_71 = tpu.memref_slice %arg3[%while3A_60, %dma_wait3A_70] : memref<2500x128xi32, #tpu.memory_space<hbm>> -> memref<1x128xi32, #tpu.memory_space<hbm>>
        %dma_wait3A_72 = tpu.memref_squeeze %dma_wait3A_71 : memref<1x128xi32, #tpu.memory_space<hbm>> -> memref<128xi32, #tpu.memory_space<hbm>>
        tpu.wait_dma2 semaphore(%run_scoped3A : memref<!tpu.dma_semaphore, #tpu.memory_space<semaphore_mem>>) src(%dma_wait3A_72 : memref<128xi32, #tpu.memory_space<hbm>>) dst(%arg10 : memref<128xi32, #tpu.memory_space<vmem>>)
        tpu.yield
      }) : () -> ()
      "tpu.region"() ({
        %run_scoped3A = tpu.sem_alloc : memref<!tpu.dma_semaphore, #tpu.memory_space<semaphore_mem>>
        %dma_start3A = arith.constant 0 : i32
        %dma_start3A_63 = arith.constant 0 : i32
        %dma_start3A_64 = tpu.memref_slice %arg6[%dma_start3A, %dma_start3A_63] : memref<10240x16xf32, #tpu.memory_space<vmem_shared>> -> memref<10240x16xf32, #tpu.memory_space<vmem_shared>>
        tpu.enqueue_indirect_dma source(%dma_start3A_64 : memref<10240x16xf32, #tpu.memory_space<vmem_shared>>) target(%arg11 : memref<128x16xf32, #tpu.memory_space<vmem>>) offsets(%arg9 : memref<128xi32, #tpu.memory_space<vmem>>) semaphore(%run_scoped3A : memref<!tpu.dma_semaphore, #tpu.memory_space<semaphore_mem>>)
        %dma_wait3A = arith.constant 0 : i32
        %dma_wait3A_65 = arith.constant 0 : i32
        %dma_wait3A_66 = tpu.memref_slice %arg6[%dma_wait3A, %dma_wait3A_65] : memref<10240x16xf32, #tpu.memory_space<vmem_shared>> -> memref<10240x16xf32, #tpu.memory_space<vmem_shared>>
        tpu.wait_indirect_dma semaphore(%run_scoped3A : memref<!tpu.dma_semaphore, #tpu.memory_space<semaphore_mem>>) src(%dma_wait3A_66 : memref<10240x16xf32, #tpu.memory_space<vmem_shared>>) dst(%arg11 : memref<128x16xf32, #tpu.memory_space<vmem>>)
        tpu.yield
      }) : () -> ()
      "tpu.region"() ({
        %run_scoped3A = tpu.sem_alloc : memref<!tpu.dma_semaphore, #tpu.memory_space<semaphore_mem>>
        %dma_start3A = arith.constant 0 : i32
        %dma_start3A_63 = arith.constant 0 : i32
        %dma_start3A_64 = tpu.memref_slice %arg7[%dma_start3A, %dma_start3A_63] : memref<10240x16xf32, #tpu.memory_space<vmem_shared>> -> memref<10240x16xf32, #tpu.memory_space<vmem_shared>>
        tpu.enqueue_indirect_dma source(%arg11 : memref<128x16xf32, #tpu.memory_space<vmem>>) target(%dma_start3A_64 : memref<10240x16xf32, #tpu.memory_space<vmem_shared>>) offsets(%arg10 : memref<128xi32, #tpu.memory_space<vmem>>) semaphore(%run_scoped3A : memref<!tpu.dma_semaphore, #tpu.memory_space<semaphore_mem>>) {add = true}
        %dma_wait3A = arith.constant 0 : i32
        %dma_wait3A_65 = arith.constant 0 : i32
        %dma_wait3A_66 = tpu.memref_slice %arg7[%dma_wait3A, %dma_wait3A_65] : memref<10240x16xf32, #tpu.memory_space<vmem_shared>> -> memref<10240x16xf32, #tpu.memory_space<vmem_shared>>
        tpu.wait_indirect_dma semaphore(%run_scoped3A : memref<!tpu.dma_semaphore, #tpu.memory_space<semaphore_mem>>) src(%arg11 : memref<128x16xf32, #tpu.memory_space<vmem>>) dst(%dma_wait3A_66 : memref<10240x16xf32, #tpu.memory_space<vmem_shared>>)
        tpu.yield
      }) : () -> ()
      %while3A_62 = arith.constant 0 : i32
      scf.yield %while3A_62 : i32
    }
    %barrier3A_59 = arith.constant 0 : index
    tpu.barrier barrier_id(%barrier3A_59)
    "tpu.region"() ({
      %run_scoped3A = tpu.sem_alloc : memref<!tpu.dma_semaphore, #tpu.memory_space<semaphore_mem>>
      %dma_start3A = arith.constant 0 : i32
      %dma_start3A_60 = tpu.memref_slice %arg7[%mul3A_0, %dma_start3A] : memref<10240x16xf32, #tpu.memory_space<vmem_shared>> -> memref<640x16xf32, #tpu.memory_space<vmem_shared>>
      %dma_start3A_61 = arith.constant 0 : i32
      %dma_start3A_62 = tpu.memref_slice %arg7[%mul3A_0, %dma_start3A_61] : memref<10240x16xf32, #tpu.memory_space<vmem_shared>> -> memref<640x16xf32, #tpu.memory_space<vmem_shared>>
      tpu.enqueue_dma source(%dma_start3A_62 : memref<640x16xf32, #tpu.memory_space<vmem_shared>>) target(%arg8 : memref<640x16xf32, #tpu.memory_space<vmem>>) target_semaphore(%run_scoped3A : memref<!tpu.dma_semaphore, #tpu.memory_space<semaphore_mem>>)
      %dma_wait3A = arith.constant 0 : i32
      %dma_wait3A_63 = tpu.memref_slice %arg7[%mul3A_0, %dma_wait3A] : memref<10240x16xf32, #tpu.memory_space<vmem_shared>> -> memref<640x16xf32, #tpu.memory_space<vmem_shared>>
      %dma_wait3A_64 = arith.constant 0 : i32
      %dma_wait3A_65 = tpu.memref_slice %arg7[%mul3A_0, %dma_wait3A_64] : memref<10240x16xf32, #tpu.memory_space<vmem_shared>> -> memref<640x16xf32, #tpu.memory_space<vmem_shared>>
      tpu.wait_dma2 semaphore(%run_scoped3A : memref<!tpu.dma_semaphore, #tpu.memory_space<semaphore_mem>>) src(%dma_wait3A_65 : memref<640x16xf32, #tpu.memory_space<vmem_shared>>) dst(%arg8 : memref<640x16xf32, #tpu.memory_space<vmem>>)
      tpu.yield
    }) : () -> ()
    "tpu.region"() ({
      %run_scoped3A = tpu.sem_alloc : memref<!tpu.dma_semaphore, #tpu.memory_space<semaphore_mem>>
      %dma_start3A = arith.constant 0 : i32
      %dma_start3A_60 = tpu.memref_slice %arg5[%arg0, %mul3A_0, %dma_start3A] : memref<2x10240x16xf32, #tpu.memory_space<hbm>> -> memref<1x640x16xf32, #tpu.memory_space<hbm>>
      %dma_start3A_61 = tpu.memref_squeeze %dma_start3A_60 : memref<1x640x16xf32, #tpu.memory_space<hbm>> -> memref<640x16xf32, #tpu.memory_space<hbm>>
      %dma_start3A_62 = arith.constant 0 : i32
      %dma_start3A_63 = tpu.memref_slice %arg5[%arg0, %mul3A_0, %dma_start3A_62] : memref<2x10240x16xf32, #tpu.memory_space<hbm>> -> memref<1x640x16xf32, #tpu.memory_space<hbm>>
      %dma_start3A_64 = tpu.memref_squeeze %dma_start3A_63 : memref<1x640x16xf32, #tpu.memory_space<hbm>> -> memref<640x16xf32, #tpu.memory_space<hbm>>
      tpu.enqueue_dma source(%arg8 : memref<640x16xf32, #tpu.memory_space<vmem>>) target(%dma_start3A_64 : memref<640x16xf32, #tpu.memory_space<hbm>>) target_semaphore(%run_scoped3A : memref<!tpu.dma_semaphore, #tpu.memory_space<semaphore_mem>>)
      %dma_wait3A = arith.constant 0 : i32
      %dma_wait3A_65 = tpu.memref_slice %arg5[%arg0, %mul3A_0, %dma_wait3A] : memref<2x10240x16xf32, #tpu.memory_space<hbm>> -> memref<1x640x16xf32, #tpu.memory_space<hbm>>
      %dma_wait3A_66 = tpu.memref_squeeze %dma_wait3A_65 : memref<1x640x16xf32, #tpu.memory_space<hbm>> -> memref<640x16xf32, #tpu.memory_space<hbm>>
      %dma_wait3A_67 = arith.constant 0 : i32
      %dma_wait3A_68 = tpu.memref_slice %arg5[%arg0, %mul3A_0, %dma_wait3A_67] : memref<2x10240x16xf32, #tpu.memory_space<hbm>> -> memref<1x640x16xf32, #tpu.memory_space<hbm>>
      %dma_wait3A_69 = tpu.memref_squeeze %dma_wait3A_68 : memref<1x640x16xf32, #tpu.memory_space<hbm>> -> memref<640x16xf32, #tpu.memory_space<hbm>>
      tpu.wait_dma2 semaphore(%run_scoped3A : memref<!tpu.dma_semaphore, #tpu.memory_space<semaphore_mem>>) src(%arg8 : memref<640x16xf32, #tpu.memory_space<vmem>>) dst(%dma_wait3A_69 : memref<640x16xf32, #tpu.memory_space<hbm>>)
      tpu.yield
    }) : () -> ()
    return
  }
}

module attributes {stable_mosaic.version = 14 : i64} {
  func.func @_hs_body(%arg0: memref<10240x128xf32, #tpu.memory_space<vmem>>, %arg1: memref<128x16xf32, #tpu.memory_space<vmem>>, %arg2: memref<10240x2xf32, #tpu.memory_space<vmem>>, %arg3: memref<10240x16xf32, #tpu.memory_space<vmem>>) attributes {dimension_semantics = [], scalar_prefetch = 0 : i64, scratch_operands = 0 : i64, tpu.core_type = #tpu.core_type<tc>} {
    %get3A = arith.constant 0 : index
    %get3A_0 = arith.constant 0 : index
    %get3A_1 = vector.load %arg0[%get3A, %get3A_0] : memref<10240x128xf32, #tpu.memory_space<vmem>>, vector<10240x128xf32>
    %get3A_2 = arith.constant 0 : index
    %get3A_3 = arith.constant 0 : index
    %get3A_4 = vector.load %arg1[%get3A_2, %get3A_3] : memref<128x16xf32, #tpu.memory_space<vmem>>, vector<128x16xf32>
    %dot_general3A = arith.constant dense<0.000000e+00> : vector<10240x16xf32>
    %dot_general3A_5 = tpu.matmul %get3A_1, %get3A_4, %dot_general3A {dimension_numbers = #tpu.dot_dimension_numbers<[1], [0], [0], [1], [0, 0, 1, 1], [], []>, transpose_lhs_hint = false} : vector<10240x128xf32>, vector<128x16xf32>, vector<10240x16xf32> -> vector<10240x16xf32>
    %get3A_6 = arith.constant 0 : index
    %get3A_7 = arith.constant 0 : index
    %get3A_8 = vector.load %arg2[%get3A_6, %get3A_7] : memref<10240x2xf32, #tpu.memory_space<vmem>>, vector<10240x1xf32>
    %get3A_9 = arith.constant 0 : index
    %get3A_10 = arith.constant 1 : index
    %get3A_11 = vector.load %arg2[%get3A_9, %get3A_10] : memref<10240x2xf32, #tpu.memory_space<vmem>>, vector<10240x1xf32>
    %add3A = arith.addf %get3A_8, %get3A_11 : vector<10240x1xf32>
    %add3A_12 = arith.constant 1.000000e+00 : f32
    %add3A_13 = vector.broadcast %add3A_12 : f32 to vector<10240x1xf32>
    %add3A_14 = arith.addf %add3A, %add3A_13 : vector<10240x1xf32>
    %rsqrt3A = math.rsqrt %add3A_14 : vector<10240x1xf32>
    %mul3A = vector.broadcast %rsqrt3A : vector<10240x1xf32> to vector<10240x16xf32>
    %mul3A_15 = arith.mulf %dot_general3A_5, %mul3A : vector<10240x16xf32>
    %swap3A = arith.constant 0 : index
    %swap3A_16 = arith.constant 0 : index
    %swap3A_17 = vector.load %arg3[%swap3A, %swap3A_16] : memref<10240x16xf32, #tpu.memory_space<vmem>>, vector<10240x16xf32>
    tpu.vector_store %arg3[%swap3A, %swap3A_16], %mul3A_15 {strides = array<i32>} : memref<10240x16xf32, #tpu.memory_space<vmem>>, vector<10240x16xf32>,
    return
  }
}

module attributes {stable_mosaic.version = 14 : i64} {
  func.func @_out_body(%arg0: memref<2x10240x16xf32, #tpu.memory_space<vmem>>, %arg1: memref<10240x16xf32, #tpu.memory_space<vmem>>, %arg2: memref<10240x2xf32, #tpu.memory_space<vmem>>, %arg3: memref<16x128xf32, #tpu.memory_space<vmem>>, %arg4: memref<1x16xf32, #tpu.memory_space<vmem>>, %arg5: memref<1x128xf32, #tpu.memory_space<vmem>>, %arg6: memref<10240x128xf32, #tpu.memory_space<vmem>>) attributes {dimension_semantics = [], scalar_prefetch = 0 : i64, scratch_operands = 0 : i64, tpu.core_type = #tpu.core_type<tc>} {
    %get3A = arith.constant 0 : index
    %get3A_0 = arith.constant 0 : index
    %get3A_1 = vector.load %arg2[%get3A, %get3A_0] : memref<10240x2xf32, #tpu.memory_space<vmem>>, vector<10240x1xf32>
    %get3A_2 = arith.constant 0 : index
    %get3A_3 = arith.constant 1 : index
    %get3A_4 = vector.load %arg2[%get3A_2, %get3A_3] : memref<10240x2xf32, #tpu.memory_space<vmem>>, vector<10240x1xf32>
    %add3A = arith.addf %get3A_1, %get3A_4 : vector<10240x1xf32>
    %add3A_5 = arith.constant 1.000000e+00 : f32
    %add3A_6 = vector.broadcast %add3A_5 : f32 to vector<10240x1xf32>
    %add3A_7 = arith.addf %add3A, %add3A_6 : vector<10240x1xf32>
    %rsqrt3A = math.rsqrt %add3A_7 : vector<10240x1xf32>
    %get3A_8 = arith.constant 0 : index
    %get3A_9 = arith.constant 0 : index
    %get3A_10 = arith.constant 0 : index
    %get3A_11 = vector.load %arg0[%get3A_8, %get3A_9, %get3A_10] : memref<2x10240x16xf32, #tpu.memory_space<vmem>>, vector<1x10240x16xf32>
    %get3A_12 = vector.shape_cast %get3A_11 : vector<1x10240x16xf32> to vector<10240x16xf32>
    %get3A_13 = arith.constant 1 : index
    %get3A_14 = arith.constant 0 : index
    %get3A_15 = arith.constant 0 : index
    %get3A_16 = vector.load %arg0[%get3A_13, %get3A_14, %get3A_15] : memref<2x10240x16xf32, #tpu.memory_space<vmem>>, vector<1x10240x16xf32>
    %get3A_17 = vector.shape_cast %get3A_16 : vector<1x10240x16xf32> to vector<10240x16xf32>
    %add3A_18 = arith.addf %get3A_12, %get3A_17 : vector<10240x16xf32>
    %get3A_19 = arith.constant 0 : index
    %get3A_20 = arith.constant 0 : index
    %get3A_21 = vector.load %arg1[%get3A_19, %get3A_20] : memref<10240x16xf32, #tpu.memory_space<vmem>>, vector<10240x16xf32>
    %sub3A = arith.subf %add3A_18, %get3A_21 : vector<10240x16xf32>
    %mul3A = vector.broadcast %rsqrt3A : vector<10240x1xf32> to vector<10240x16xf32>
    %mul3A_22 = arith.mulf %mul3A, %sub3A : vector<10240x16xf32>
    %get3A_23 = arith.constant 0 : index
    %get3A_24 = arith.constant 0 : index
    %get3A_25 = vector.load %arg4[%get3A_23, %get3A_24] : memref<1x16xf32, #tpu.memory_space<vmem>>, vector<1x16xf32>
    %add3A_26 = vector.broadcast %get3A_25 : vector<1x16xf32> to vector<10240x16xf32>
    %add3A_27 = arith.addf %mul3A_22, %add3A_26 : vector<10240x16xf32>
    %get3A_28 = arith.constant 0 : index
    %get3A_29 = arith.constant 0 : index
    %get3A_30 = vector.load %arg3[%get3A_28, %get3A_29] : memref<16x128xf32, #tpu.memory_space<vmem>>, vector<16x128xf32>
    %dot_general3A = arith.constant dense<0.000000e+00> : vector<10240x128xf32>
    %dot_general3A_31 = tpu.matmul %add3A_27, %get3A_30, %dot_general3A {dimension_numbers = #tpu.dot_dimension_numbers<[1], [0], [0], [1], [0, 0, 1, 1], [], []>, transpose_lhs_hint = false} : vector<10240x16xf32>, vector<16x128xf32>, vector<10240x128xf32> -> vector<10240x128xf32>
    %get3A_32 = arith.constant 0 : index
    %get3A_33 = arith.constant 0 : index
    %get3A_34 = vector.load %arg5[%get3A_32, %get3A_33] : memref<1x128xf32, #tpu.memory_space<vmem>>, vector<1x128xf32>
    %add3A_35 = vector.broadcast %get3A_34 : vector<1x128xf32> to vector<10240x128xf32>
    %add3A_36 = arith.addf %dot_general3A_31, %add3A_35 : vector<10240x128xf32>
    %swap3A = arith.constant 0 : index
    %swap3A_37 = arith.constant 0 : index
    %swap3A_38 = vector.load %arg6[%swap3A, %swap3A_37] : memref<10240x128xf32, #tpu.memory_space<vmem>>, vector<10240x128xf32>
    tpu.vector_store %arg6[%swap3A, %swap3A_37], %add3A_36 {strides = array<i32>} : memref<10240x128xf32, #tpu.memory_space<vmem>>, vector<10240x128xf32>,
    return
  }
}

</mosaic_0001>

<sc_bundles>
// kernel: kernel.6.cloned.1.call-start
scs
__scs_entry_jumppad:
0x0: {  	(pc) =	sbr.rel $0x88, $3  }
0x1: {  	(tag) =	ssettag $0x0;
	lr =	simm.s32 $0x1  }
0x2: {  	[smem:$0x3F9B] =	sst lr;
	_ =	strace $0xD0000000  }
0x3: {  	_ = 	snop  }
0x4: {  	_ = 	snop  }
0x5: {  	_ = 	snop  }
0x6: {  	_ = 	snop  }
0x7: {  	_ = 	snop  }
__scs_overlays_trampoline_lowered:
0x8: {  	[smem:$0x3FAA] =	sst s0  }
0x9: {  	[smem:$0x3FAB] =	sst s1  }
0xa: {  	[smem:$0x3FAC] =	sst s2  }
0xb: {  	[smem:$0x3FAD] =	sst s3  }
0xc: {  	[smem:$0x3FAE] =	sst s4  }
0xd: {  	[smem:$0x3FAF] =	sst s5  }
0xe: {  	[smem:$0x3FB0] =	sst s6  }
0xf: {  	[smem:$0x3FB1] =	sst s7  }
0x10: {  	[smem:$0x3FB2] =	sst s8  }
0x11: {  	[smem:$0x3FB3] =	sst s9;
	s0 =	simm.s32 @!p0 $0x0  }
0x12: {  	s1 =	sld [smem:$0x3F99];
	s0 =	simm.s32 @p0 $0x1  }
0x13: {  	[smem:$0x3FB4] =	sst s0;
	s0 =	simm.s32 @!p1 $0x0  }
0x14: {  	s2 =	sld [smem:$0x3F98];
	s0 =	simm.s32 @p1 $0x1  }
0x15: {  	[smem:$0x3FB5] =	sst s0;
	s0 =	simm.s32 @!p2 $0x0  }
0x16: {  	s3 =	sld [smem:$0x3FDB];
	s0 =	simm.s32 @p2 $0x1  }
0x17: {  	s4 =	simm.s32 $0x1BF5;
	[smem:$0x3FB7] =	sst s0  }
0x18: {  	s0 =	sld [smem:$0x3F9A];
	_ =	swait.ge [sflag:s4], $0x0  }
0x19: {  	s7 =	sld [smem:$0x3F9B]  }
0x1a: {  	s8 =	sadd.s32 $0xFFFFE003, lr  }
0x1b: {  	s9 =	sadd.s32 $0xFFFFFEF7, lr;
	s5 =	simm.s32 $0xFFFFFFFF;
	p2 =	slt.u32 s8, $0xFFFFF086  }
0x1c: {  	p1 =	slt.u32 s9, $0xF7A;
	s5 =	simm.s32 @!p2 $0x0  }
0x1d: {  	s5 =	simm.s32 @p1 $0x1;
	p0 =	seq.s32 s7, s2  }
0x1e: {  	s7 =	smul.u32 @!p0 $0xF7A, s2;
	p2 =	seq.s32 @!p0 s5, $0x0  }
0x1f: {  	s9 =	smul.u32 $0xF7A, s1;
	s8 =	simm.s32 @!p0 $0x1BF5;
	p2 =	por !p2, p0  }
0x20: {  	[sflag:s8] =	ssyncset.s32 @!p0 $0xFFFFF086;
	s6 =	sadd.s32 @!p0 s3, s7;
	s7 =	simm.s32 @!p0 $0x108  }
0x21: {  	s3 =	sadd.s32 s3, s9;
	s6 =	sadd.s32 @!p0 $0x88, s6;
	s7 =	simm.s32 @p2 $0x1082  }
0x22: {  	[simem:s7], [sflag:s8] =	dma.local @!p0 [hbm:s6], $0xF7A  }
0x23: {  	s9 =	sor.u32 $0xD0000000, s2;
	s6 =	simm.s32 $0x108;
	_ =	swait.ge @!p0 [sflag:s8], $0x0  }
0x24: {  	s3 =	sadd.s32 $0x88, s3;
	s6 =	simm.s32 @!p1 $0x1082;
	[sflag:s4] =	ssyncset.s32 $0xFFFFF086  }
0x25: {  	[simem:s6], [sflag:s4] =	dma.local [hbm:s3], $0xF7A  }
0x26: {  	[smem:$0x3F9B] =	sst s1;
	(tag) =	ssettag s2;
	_ =	strace s9  }
0x27: {  	s1 =	sld [smem:$0x3FAB]  }
0x28: {  	s2 =	sld [smem:$0x3FAC]  }
0x29: {  	s4 =	sld [smem:$0x3FAE]  }
0x2a: {  	p0 =	seq.s32 s5, $0x0;
	s5 =	sld [smem:$0x3FAF]  }
0x2b: {  	s6 =	sld [smem:$0x3FB0]  }
0x2c: {  	s7 =	sld [smem:$0x3FB1]  }
0x2d: {  	s3 =	simm.s32 $0x108;
	s8 =	sld [smem:$0x3FB2]  }
0x2e: {  	s3 =	simm.s32 @!p0 $0x1082;
	s9 =	sld [smem:$0x3FB3]  }
0x2f: {  	lr =	sadd.s32 s0, s3;
	s0 =	sld [smem:$0x3FAA]  }
0x30: {  	s3 =	sld [smem:$0x3FAD]  }
0x31: {  	[smem:$0x3FB6] =	sst s10  }
0x32: {  	s10 =	sld [smem:$0x3FB4];
	_ =	sdelay $0x3  }
0x33: {  	p0 =	seq.s32 s10, $0x1;
	s10 =	sld [smem:$0x3FB6];
	_ =	sdelay $0x3  }
0x34: {  	[smem:$0x3FB6] =	sst s10  }
0x35: {  	s10 =	sld [smem:$0x3FB5];
	_ =	sdelay $0x3  }
0x36: {  	p1 =	seq.s32 s10, $0x1;
	s10 =	sld [smem:$0x3FB6];
	_ =	sdelay $0x3  }
0x37: {  	[smem:$0x3FB6] =	sst s10  }
0x38: {  	s10 =	sld [smem:$0x3FB7]  }
0x39: {  	_ = 	snop;
	(pc) =	sbr.ind lr, $3  }
0x3a: {  	_ = 	snop  }
0x3b: {  	_ = 	snop  }
0x3c: {  	p2 =	seq.s32 s10, $0x1;
	s10 =	sld [smem:$0x3FB6]  }
0x3d: {  	_ =	shalt  }
0x3e: {  	_ =	shalt  }
0x3f: {  	_ =	shalt  }
0x40: {  	_ =	shalt  }
0x41: {  	_ =	shalt  }
0x42: {  	_ =	shalt  }
0x43: {  	_ =	shalt  }
0x44: {  	_ =	shalt  }
0x45: {  	_ =	shalt  }
0x46: {  	_ =	shalt  }
0x47: {  	_ =	shalt  }
0x48: {  	_ =	shalt  }
0x49: {  	_ =	shalt  }
0x4a: {  	_ =	shalt  }
0x4b: {  	_ =	shalt  }
0x4c: {  	_ =	shalt  }
0x4d: {  	_ =	shalt  }
0x4e: {  	_ =	shalt  }
0x4f: {  	_ =	shalt  }
0x50: {  	_ =	shalt  }
0x51: {  	_ =	shalt  }
0x52: {  	_ =	shalt  }
0x53: {  	_ =	shalt  }
0x54: {  	_ =	shalt  }
0x55: {  	_ =	shalt  }
0x56: {  	_ =	shalt  }
0x57: {  	_ =	shalt  }
0x58: {  	_ =	shalt  }
0x59: {  	_ =	shalt  }
0x5a: {  	_ =	shalt  }
0x5b: {  	_ =	shalt  }
0x5c: {  	_ =	shalt  }
0x5d: {  	_ =	shalt  }
0x5e: {  	_ =	shalt  }
0x5f: {  	_ =	shalt  }
0x60: {  	_ =	shalt  }
0x61: {  	_ =	shalt  }
0x62: {  	_ =	shalt  }
0x63: {  	_ =	shalt  }
0x64: {  	_ =	shalt  }
0x65: {  	_ =	shalt  }
0x66: {  	_ =	shalt  }
0x67: {  	_ =	shalt  }
0x68: {  	_ =	shalt  }
0x69: {  	_ =	shalt  }
0x6a: {  	_ =	shalt  }
0x6b: {  	_ =	shalt  }
0x6c: {  	_ =	shalt  }
0x6d: {  	_ =	shalt  }
0x6e: {  	_ =	shalt  }
0x6f: {  	_ =	shalt  }
0x70: {  	_ =	shalt  }
0x71: {  	_ =	shalt  }
0x72: {  	_ =	shalt  }
0x73: {  	_ =	shalt  }
0x74: {  	_ =	shalt  }
0x75: {  	_ =	shalt  }
0x76: {  	_ =	shalt  }
0x77: {  	_ =	shalt  }
0x78: {  	_ =	shalt  }
0x79: {  	_ =	shalt  }
0x7a: {  	_ =	shalt  }
0x7b: {  	_ =	shalt  }
0x7c: {  	_ =	shalt  }
0x7d: {  	_ =	shalt  }
0x7e: {  	_ =	shalt  }
0x7f: {  	_ =	shalt  }
0x80: {  	_ =	shalt  }
0x81: {  	_ =	shalt  }
0x82: {  	_ =	shalt  }
0x83: {  	_ =	shalt  }
0x84: {  	_ =	shalt  }
0x85: {  	_ =	shalt  }
0x86: {  	_ =	shalt  }
0x87: {  	_ =	shalt  }
.Lfunc_end0:
.L_simem_size_0:
called_computation_lowered:
.L_overlay_start_0:
0x88: {  	s2 =	sld [smem:$0x3FD9]  }
0x89: {  	s3 =	sld [smem:$0x3FFE];
	_ =	sdelay $0x1  }
0x8a: {  	s1 =	srdreg.scid  }
0x8b: {  	s0 =	sand.u32 $0x1, s1  }
0x8c: {  	s17 =	sshll.u32 s0, $0xA;
	s2 =	sadd.s32 s3, s2  }
0x8d: {  	s2 =	sadd.s32 s2, s17  }
0x8e: {  	[smem:$0x3FC2] =	sst s2  }
0x8f: {  	_ = 	snop  }
0x90: {  	s2 =	sld [smem:$0x3FD0];
	(tm) =	ssettm $0x1  }
0x91: {  	s18 =	sld [smem:$0x3FFB];
	_ =	sdelay $0x3  }
0x92: {  	_ =	strace s18  }
0x93: {  	s3 =	sld [smem:$0x3FFC];
	_ =	sdelay $0x3  }
0x94: {  	_ =	strace s3  }
0x95: {  	s3 =	sld [smem:$0x3FFD];
	_ =	sdelay $0x3  }
0x96: {  	_ =	strace s3  }
0x97: {  	_ =	strace $0x8FFFFFFF  }
0x98: {  	s19 =	sld [smem:$0x3FDB];
	_ =	sdelay $0x1  }
0x99: {  	s4 =	simm.s32 $_scs_section_size  }
0x9a: {  	s5 =	simm.s32 $_size__tile_overlayer_lowered;
	s6 =	simm.s32 $_tile_overlayer_lowered  }
0x9b: {  	s22 =	simm.s32 $0x1BFF;
	s21 =	sshll.u32 s6, $0x1;
	s3 =	sadd.s32 s4, s19  }
0x9c: {  	s7 =	simm.s32 $0x0;
	s20 =	sshll.u32 s5, $0x1;
	s5 =	sadd.s32 s21, s3  }
0x9d: {  	[timem:s7], [sflag:s22] =	dma.local [hbm:s5], s20  }
0x9e: {  	_ =	swait.ge [sflag:s22], s20  }
0x9f: {  	s4 =	ssub.s32 $0x0, s20;
	[sflag:s22] =	ssyncset.done $0x0  }
0xa0: {  	[sflag:s22] =	ssyncadd.s32 s4;
	_ =	sdelay $0x1  }
0xa1: {  	s23 =	simm.s32 $0x1B8B  }
0xa2: {  	_ =	swait.ge [sflag:s23], $0x1  }
0xa3: {  	[sflag:s23] =	ssyncset.done $0x0  }
0xa4: {  	s25 =	simm.s32 $0x1B8E;
	s24 =	sld [smem:$0x3FFE];
	[sflag:s23] =	ssyncadd.s32 $0xFFFFFFFF  }
0xa5: {  	s26 =	simm.s32 $execute0_lowered;
	[smem:$0x3FD2] =	sst s25  }
0xa6: {  	s5 =	sshll.u32 s26, $0x1;
	_ =	strace $0x80000046;
	[dreg:$0x1] =	wrdreg $0xFFFFFFFF  }
0xa7: {  	s28 =	simm.s32 $_size_execute0_lowered;
	s3 =	sadd.s32 s3, s5;
	[dreg:$0x0] =	wrdreg $0x0  }
0xa8: {  	s5 =	sshll.u32 s28, $0x1;
	[dreg:$0x2] =	wrdreg s3  }
0xa9: {  	[dreg:$0x3] =	wrdreg s5  }
0xaa: {  	[dreg:$0x4] =	wrdreg $0xC0  }
0xab: {  	_ =	task [dreg:s7], $0x5FFFF  }
0xac: {  	[dreg:$0x1] =	wrdreg $0xFFFFFFFF  }
0xad: {  	[dreg:$0x0] =	wrdreg $0x60  }
0xae: {  	[dreg:$0x2] =	wrdreg s2  }
0xaf: {  	[dreg:$0x3] =	wrdreg s24  }
0xb0: {  	[dreg:$0x4] =	wrdreg $0x0  }
0xb1: {  	[dreg:$0x5] =	wrdreg $0x9  }
0xb2: {  	_ =	task.clear_ibuf [dreg:s7], $0x6FFFF;
	_ =	strace $0x90000046  }
0xb3: {  	s29 =	simm.s32 $0x9;
	_ =	strace $0x80000048  }
0xb4: {  	_ =	swait.ge [sflag:s29], $0x1  }
0xb5: {  	[sflag:s29] =	ssyncadd.s32 $0xFFFFFFFF  }
0xb6: {  	_ =	strace $0x90000048  }
0xb7: {  	_ =	sfence  }
0xb8: {  	s30 =	sld [smem:$0x0];
	_ =	sdelay $0x2  }
0xb9: {  	s31 =	sshll.u32 s1, $0xD;
	s1 =	sshrl.u32 s1, $0x2  }
0xba: {  	s3 =	sand.u32 $0x4000, s31;
	s1 =	sadd.s32 s1, s30  }
0xbb: {  	s0 =	sor.u32 s3, s0;
	s1 =	sshll.u32 s1, $0x11  }
0xbc: {  	s0 =	sor.u32 s1, s0  }
0xbd: {  	s0 =	sadd.s32 $0x8F2B, s0  }
0xbe: {  	[sflag:s0] =	ssyncadd.remote.s32 $0x1  }
0xbf: {  	_ =	sfence.sel $0xFFFF  }
0xc0: {  	[dreg:$0x0] =	wrdreg $0xFFFFFFFF;
	(pc) =	sbr.abs _section_cstart, $3  }
0xc1: {  	[dreg:$0x1] =	wrdreg $0xFFFFFFFF  }
0xc2: {  	_ =	task.clear_ibuf [dreg:s7], $0x2FFFF;
	_ =	strace $0x9FFFFFFF  }
0xc3: {  	(tm) =	ssettm $0x7FFFFFFF  }
tec
execute0_lowered:
.L_overlay_start_1:
0x0: {  	(tag) =	ssettag $0x1  }
0x1: {  	s9 =	rddreg [dreg:$0x0]  }
0x2: {  	s4 =	rddreg [dreg:$0x1]  }
0x3: {  	s2 =	rddreg [dreg:$0x2]  }
0x4: {  	s0 =	rddreg [dreg:$0x3];
	s3 =	simm.s32 $0x0  }
0x5: {  	s5 =	srdreg.scid;
	s1 =	stileid.u32;
	s14 =	simm.s32 $0x500  }
0x6: {  	s15 =	simm.s32 $0x100;
	s16 =	simm.s32 $0x0;
	s6 =	smul.u32 $0x500, s1  }
0x7: {  	s5 =	sand.u32 $0x1, s5;
	s7 =	sshll.u32 s1, $0x1;
	s8 =	smul.u32 $0xA00, s1  }
0x8: {  	[smem:$0x7FF] =	sst s3;
	s11 =	smul.u32 $0x1388, s1;
	s7 =	sor.u32 s5, s7  }
0x9: {  	s10 =	sshll.u32 s5, $0x7;
	s26 =	ssub.s32 $0x2, s5;
	s5 =	smul.u32 $0x9C4, s5  }
0xa: {  	_ =	strace $0x80000047;
	s7 =	smul.u32 $0x9C4, s7;
	s6 =	sor.u32 s10, s6  }
0xb: {  	s12 =	sshrl.u32 s26, $0x1;
	s28 =	sshrl.u32 s8, $0x2;
	s6 =	sshrl.u32 s6, $0x3  }
0xc: {  	s10 =	ssub.s32 s26, s12;
	s30 =	sadd.s32 s5, s11;
	s12 =	simm.s32 $0x580  }
.Ltmp0:
0xd: {  	s13 =	sadd.s32 s6, s4;
	s4 =	sadd.s32 s28, s2;
	(pc) =	sbr.rel .LBB2_1-.Ltmp0, $4  }
0xe: {  	s29 =	sadd.s32 $0x9C4, s7;
	s5 =	sshrl.u32 s7, $0x5;
	s11 =	sshrl.u32 s30, $0x1  }
0xf: {  	s8 =	smax.u32 s10, $0x1;
	s10 =	simm.s32 $0x280;
	s6 =	sshrl.u32 s29, $0x5  }
0x10: {  	s7 =	sadd.s32 $0xB800, s13;
	s31 =	sand.u32 $0x1FFF0, s11;
	s11 =	simm.s32 $0x1  }
0x11: {  	v0 =	vimm.f32 $0.0e+00;
	v1 =	vimm.f32 $1.000000000e+00;
	s13 =	simm.s32 $0x80;
	s9 =	sadd.s32 s31, s9;
	p0 =	sge.u32 s5, s6  }
.LBB2_4:
0x12: {  	[sflag:s11] =	ssyncadd.s32 $0xFFFFFF80  }
.LBB2_5:
0x13: {  	[bflag:$0x0] =	sbarrier.arrive $0xFFFF  }
0x14: {  	[tilespmem:s10], [sflag:$0x1] =	stream.linear.gather [spmem:s4], $0x280, $0x38;
	[tilespmem:$0x600] =	vst v63  }
0x15: {  	s16 =	sadd.s32 $0x1, s16;
	_ =	swait.ge [sflag:s11], $0x280  }
0x16: {  	p1 =	sne.s32 s16, s8;
	[sflag:s11] =	ssyncset.done $0x0  }
.Ltmp1:
0x17: {  	[sflag:s11] =	ssyncadd.s32 $0xFFFFFD80;
	(pc) =	sbr.rel @!p1 .LBB2_6-.Ltmp1, $4  }
0x18: {  	[hbm4b:s7+s13] =	stream.strided.scatter [tilespmem:s10], [sflag:$0x1], $0x280, s15, s13, $0x38;
	[tilespmem:$0x600] =	vst v63  }
0x19: {  	_ =	swait.ge [sflag:s11], $0x280  }
0x1a: {  	[sflag:s11] =	ssyncset.done $0x0  }
0x1b: {  	[sflag:s11] =	ssyncadd.s32 $0xFFFFFD80  }
.LBB2_1:
0x1c: {  	[tilespmem:$0x280] =	vst v0  }
0x1d: {  	[tilespmem:$0x290] =	vst v0  }
0x1e: {  	[tilespmem:$0x2A0] =	vst v0  }
0x1f: {  	[tilespmem:$0x2B0] =	vst v0  }
0x20: {  	[tilespmem:$0x2C0] =	vst v0  }
0x21: {  	[tilespmem:$0x2D0] =	vst v0  }
0x22: {  	[tilespmem:$0x2E0] =	vst v0  }
0x23: {  	[tilespmem:$0x2F0] =	vst v0  }
0x24: {  	[tilespmem:$0x300] =	vst v0  }
0x25: {  	[tilespmem:$0x310] =	vst v0  }
0x26: {  	[tilespmem:$0x320] =	vst v0  }
0x27: {  	[tilespmem:$0x330] =	vst v0  }
0x28: {  	[tilespmem:$0x340] =	vst v0  }
0x29: {  	[tilespmem:$0x350] =	vst v0  }
0x2a: {  	[tilespmem:$0x360] =	vst v0  }
0x2b: {  	[tilespmem:$0x370] =	vst v0  }
0x2c: {  	[tilespmem:$0x380] =	vst v0  }
0x2d: {  	[tilespmem:$0x390] =	vst v0  }
0x2e: {  	[tilespmem:$0x3A0] =	vst v0  }
0x2f: {  	[tilespmem:$0x3B0] =	vst v0  }
0x30: {  	[tilespmem:$0x3C0] =	vst v0  }
0x31: {  	[tilespmem:$0x3D0] =	vst v0  }
0x32: {  	[tilespmem:$0x3E0] =	vst v0  }
0x33: {  	[tilespmem:$0x3F0] =	vst v0  }
0x34: {  	[tilespmem:$0x400] =	vst v0  }
0x35: {  	[tilespmem:$0x410] =	vst v0  }
0x36: {  	[tilespmem:$0x420] =	vst v0  }
0x37: {  	[tilespmem:$0x430] =	vst v0  }
0x38: {  	[tilespmem:$0x440] =	vst v0  }
0x39: {  	[tilespmem:$0x450] =	vst v0  }
0x3a: {  	[tilespmem:$0x460] =	vst v0  }
0x3b: {  	[tilespmem:$0x470] =	vst v0  }
0x3c: {  	[tilespmem:$0x480] =	vst v0  }
0x3d: {  	[tilespmem:$0x490] =	vst v0  }
0x3e: {  	[tilespmem:$0x4A0] =	vst v0  }
0x3f: {  	[tilespmem:$0x4B0] =	vst v0  }
0x40: {  	[tilespmem:$0x4C0] =	vst v0  }
0x41: {  	[tilespmem:$0x4D0] =	vst v0  }
0x42: {  	[tilespmem:$0x4E0] =	vst v0  }
0x43: {  	[tilespmem:$0x4F0] =	vst v0  }
0x44: {  	[tilespmem:$0x500] =	vst v1  }
0x45: {  	[tilespmem:$0x510] =	vst v1  }
0x46: {  	[tilespmem:$0x520] =	vst v1  }
0x47: {  	[tilespmem:$0x530] =	vst v1  }
0x48: {  	[tilespmem:$0x540] =	vst v1  }
0x49: {  	[tilespmem:$0x550] =	vst v1  }
0x4a: {  	[tilespmem:$0x560] =	vst v1  }
0x4b: {  	[tilespmem:$0x570] =	vst v1  }
0x4c: {  	[spmem:s4] =	stream.linear.scatter [tilespmem:s10], [sflag:$0x1], $0x280, $0x38;
	[tilespmem:$0x600] =	vst v63  }
.Ltmp2:
0x4d: {  	_ =	swait.ge [sflag:s11], $0x280;
	(pc) =	sbr.rel @p0 .LBB2_5-.Ltmp2, $3  }
0x4e: {  	[sflag:s11] =	ssyncset.done $0x0  }
0x4f: {  	[sflag:s11] =	ssyncadd.s32 $0xFFFFFD80  }
0x50: {  	[bflag:$0x0] =	sbarrier.arrive $0xFFFF;
	_ =	sdelay $0x1  }
0x51: {  	[tilespmem:s12], [sflag:$0x1] =	stream.linear.gather [hbm4b:s9+s3], $0x80, $0x38;
	[tilespmem:$0x600] =	vst v63  }
0x52: {  	s17 =	sadd.s32 $0x1, s5  }
0x53: {  	_ =	swait.ge [sflag:s11], $0x80;
	p1 =	slt.u32 s17, s6  }
.Ltmp3:
0x54: {  	[sflag:s11] =	ssyncset.done $0x0;
	(pc) =	sbr.rel @!p1 .LBB2_4-.Ltmp3, $4  }
0x55: {  	[sflag:s11] =	ssyncadd.s32 $0xFFFFFF80  }
0x56: {  	[spmem:s2] =	stream.indirect.scatter.add.f32 [tilespmem:s14], [sflag:$0x1], $0x1, s12, s13, $0xb8;
	[tilespmem:$0x600] =	vst v63  }
0x57: {  	_ =	swait.ge [sflag:s11], $0x80  }
0x58: {  	s18 =	smov.u32 s9;
	[sflag:s11] =	ssyncset.done $0x0  }
.LBB2_3:
0x59: {  	s17 =	sadd.s32 $0x1, s17;
	[sflag:s11] =	ssyncadd.s32 $0xFFFFFF80;
	s18 =	sadd.s32 $0x10, s18  }
0x5a: {  	[tilespmem:s12], [sflag:$0x1] =	stream.linear.gather [hbm4b:s18+s3], $0x80, $0x38;
	[tilespmem:$0x600] =	vst v63  }
0x5b: {  	p1 =	slt.u32 s17, s6;
	_ =	swait.ge [sflag:s11], $0x80  }
.Ltmp4:
0x5c: {  	[sflag:s11] =	ssyncset.done $0x0;
	(pc) =	sbr.rel @p1 .LBB2_3-.Ltmp4, $4  }
0x5d: {  	[sflag:s11] =	ssyncadd.s32 $0xFFFFFF80  }
0x5e: {  	[spmem:s2] =	stream.indirect.scatter.add.f32 [tilespmem:s14], [sflag:$0x1], $0x1, s12, s13, $0xb8;
	[tilespmem:$0x600] =	vst v63  }
0x5f: {  	_ =	swait.ge [sflag:s11], $0x80  }
0x60: {  	[sflag:s11] =	ssyncset.done $0x0  }
.Ltmp5:
0x61: {  	_ = 	snop;
	(pc) =	sbr.rel .LBB2_4-.Ltmp5, $1  }
0x62: {  	_ =	sdelay $0x3  }
.LBB2_6:
0x63: {  	_ =	sfence.sel $0x180000  }
0x64: {  	[bflag:$0x0] =	sbarrier.arrive $0xFFFF  }
0x65: {  	p0 =	sne.s32 s1, $0x0;
	_ =	strace $0x90000047  }
0x66: {  	s0 =	sadd.s32 @!p0 $0x100000, s0;
	[bflag:$0x2] =	sbarrier.arrive $0xFFFF  }
0x67: {  	[sflag:s0] =	ssyncadd.tile.s32 @!p0 $0x1;
	_ =	shalt  }
.Lfunc_end2:
_tile_overlayer_lowered:
.L_overlay_start_2:
0x68: {  	(tag) =	ssettag $0x2  }
0x69: {  	s0 =	rddreg [dreg:$0x0];
	s2 =	stileid.u32  }
0x6a: {  	s1 =	rddreg [dreg:$0x1];
	p0 =	sne.s32 s2, $0x0  }
0x6b: {  	s3 =	rddreg [dreg:$0x2];
	[bflag:$0x3] =	sbarrier.arrive $0xFFFF;
	s2 =	simm.s32 @!p0 $0x1C01  }
0x6c: {  	[timem:s3], [sflag:s2] =	dma.local @!p0 [hbm:s0], s1  }
0x6d: {  	s0 =	simm.s32 @!p0 $0x1  }
0x6e: {  	_ =	swait.ge @!p0 [sflag:s0], s1  }
0x6f: {  	s1 =	ssub.s32 @!p0 $0x0, s1;
	[sflag:s0] =	ssyncset.done @!p0 $0x0  }
0x70: {  	[sflag:s0] =	ssyncadd.s32 @!p0 s1  }
0x71: {  	[bflag:$0x3] =	sbarrier.arrive $0xFFFF  }
0x72: {  	_ =	shalt  }

// kernel: kernel.9.cloned.1.call-start
scs
__scs_entry_jumppad:
0x0: {  	(pc) =	sbr.rel $0x88, $3  }
0x1: {  	(tag) =	ssettag $0x0;
	lr =	simm.s32 $0x1  }
0x2: {  	[smem:$0x3F9B] =	sst lr;
	_ =	strace $0xD0000000  }
0x3: {  	_ = 	snop  }
0x4: {  	_ = 	snop  }
0x5: {  	_ = 	snop  }
0x6: {  	_ = 	snop  }
0x7: {  	_ = 	snop  }
__scs_overlays_trampoline_lowered:
0x8: {  	[smem:$0x3FAA] =	sst s0  }
0x9: {  	[smem:$0x3FAB] =	sst s1  }
0xa: {  	[smem:$0x3FAC] =	sst s2  }
0xb: {  	[smem:$0x3FAD] =	sst s3  }
0xc: {  	[smem:$0x3FAE] =	sst s4  }
0xd: {  	[smem:$0x3FAF] =	sst s5  }
0xe: {  	[smem:$0x3FB0] =	sst s6  }
0xf: {  	[smem:$0x3FB1] =	sst s7  }
0x10: {  	[smem:$0x3FB2] =	sst s8  }
0x11: {  	[smem:$0x3FB3] =	sst s9;
	s0 =	simm.s32 @!p0 $0x0  }
0x12: {  	s1 =	sld [smem:$0x3F99];
	s0 =	simm.s32 @p0 $0x1  }
0x13: {  	[smem:$0x3FB4] =	sst s0;
	s0 =	simm.s32 @!p1 $0x0  }
0x14: {  	s2 =	sld [smem:$0x3F98];
	s0 =	simm.s32 @p1 $0x1  }
0x15: {  	[smem:$0x3FB5] =	sst s0;
	s0 =	simm.s32 @!p2 $0x0  }
0x16: {  	s3 =	sld [smem:$0x3FDB];
	s0 =	simm.s32 @p2 $0x1  }
0x17: {  	s4 =	simm.s32 $0x1BF5;
	[smem:$0x3FB7] =	sst s0  }
0x18: {  	s0 =	sld [smem:$0x3F9A];
	_ =	swait.ge [sflag:s4], $0x0  }
0x19: {  	s7 =	sld [smem:$0x3F9B]  }
0x1a: {  	s8 =	sadd.s32 $0xFFFFE003, lr  }
0x1b: {  	s9 =	sadd.s32 $0xFFFFFEF7, lr;
	s5 =	simm.s32 $0xFFFFFFFF;
	p2 =	slt.u32 s8, $0xFFFFF086  }
0x1c: {  	p1 =	slt.u32 s9, $0xF7A;
	s5 =	simm.s32 @!p2 $0x0  }
0x1d: {  	s5 =	simm.s32 @p1 $0x1;
	p0 =	seq.s32 s7, s2  }
0x1e: {  	s7 =	smul.u32 @!p0 $0xF7A, s2;
	p2 =	seq.s32 @!p0 s5, $0x0  }
0x1f: {  	s9 =	smul.u32 $0xF7A, s1;
	s8 =	simm.s32 @!p0 $0x1BF5;
	p2 =	por !p2, p0  }
0x20: {  	[sflag:s8] =	ssyncset.s32 @!p0 $0xFFFFF086;
	s6 =	sadd.s32 @!p0 s3, s7;
	s7 =	simm.s32 @!p0 $0x108  }
0x21: {  	s3 =	sadd.s32 s3, s9;
	s6 =	sadd.s32 @!p0 $0x88, s6;
	s7 =	simm.s32 @p2 $0x1082  }
0x22: {  	[simem:s7], [sflag:s8] =	dma.local @!p0 [hbm:s6], $0xF7A  }
0x23: {  	s9 =	sor.u32 $0xD0000000, s2;
	s6 =	simm.s32 $0x108;
	_ =	swait.ge @!p0 [sflag:s8], $0x0  }
0x24: {  	s3 =	sadd.s32 $0x88, s3;
	s6 =	simm.s32 @!p1 $0x1082;
	[sflag:s4] =	ssyncset.s32 $0xFFFFF086  }
0x25: {  	[simem:s6], [sflag:s4] =	dma.local [hbm:s3], $0xF7A  }
0x26: {  	[smem:$0x3F9B] =	sst s1;
	(tag) =	ssettag s2;
	_ =	strace s9  }
0x27: {  	s1 =	sld [smem:$0x3FAB]  }
0x28: {  	s2 =	sld [smem:$0x3FAC]  }
0x29: {  	s4 =	sld [smem:$0x3FAE]  }
0x2a: {  	p0 =	seq.s32 s5, $0x0;
	s5 =	sld [smem:$0x3FAF]  }
0x2b: {  	s6 =	sld [smem:$0x3FB0]  }
0x2c: {  	s7 =	sld [smem:$0x3FB1]  }
0x2d: {  	s3 =	simm.s32 $0x108;
	s8 =	sld [smem:$0x3FB2]  }
0x2e: {  	s3 =	simm.s32 @!p0 $0x1082;
	s9 =	sld [smem:$0x3FB3]  }
0x2f: {  	lr =	sadd.s32 s0, s3;
	s0 =	sld [smem:$0x3FAA]  }
0x30: {  	s3 =	sld [smem:$0x3FAD]  }
0x31: {  	[smem:$0x3FB6] =	sst s10  }
0x32: {  	s10 =	sld [smem:$0x3FB4];
	_ =	sdelay $0x3  }
0x33: {  	p0 =	seq.s32 s10, $0x1;
	s10 =	sld [smem:$0x3FB6];
	_ =	sdelay $0x3  }
0x34: {  	[smem:$0x3FB6] =	sst s10  }
0x35: {  	s10 =	sld [smem:$0x3FB5];
	_ =	sdelay $0x3  }
0x36: {  	p1 =	seq.s32 s10, $0x1;
	s10 =	sld [smem:$0x3FB6];
	_ =	sdelay $0x3  }
0x37: {  	[smem:$0x3FB6] =	sst s10  }
0x38: {  	s10 =	sld [smem:$0x3FB7]  }
0x39: {  	_ = 	snop;
	(pc) =	sbr.ind lr, $3  }
0x3a: {  	_ = 	snop  }
0x3b: {  	_ = 	snop  }
0x3c: {  	p2 =	seq.s32 s10, $0x1;
	s10 =	sld [smem:$0x3FB6]  }
0x3d: {  	_ =	shalt  }
0x3e: {  	_ =	shalt  }
0x3f: {  	_ =	shalt  }
0x40: {  	_ =	shalt  }
0x41: {  	_ =	shalt  }
0x42: {  	_ =	shalt  }
0x43: {  	_ =	shalt  }
0x44: {  	_ =	shalt  }
0x45: {  	_ =	shalt  }
0x46: {  	_ =	shalt  }
0x47: {  	_ =	shalt  }
0x48: {  	_ =	shalt  }
0x49: {  	_ =	shalt  }
0x4a: {  	_ =	shalt  }
0x4b: {  	_ =	shalt  }
0x4c: {  	_ =	shalt  }
0x4d: {  	_ =	shalt  }
0x4e: {  	_ =	shalt  }
0x4f: {  	_ =	shalt  }
0x50: {  	_ =	shalt  }
0x51: {  	_ =	shalt  }
0x52: {  	_ =	shalt  }
0x53: {  	_ =	shalt  }
0x54: {  	_ =	shalt  }
0x55: {  	_ =	shalt  }
0x56: {  	_ =	shalt  }
0x57: {  	_ =	shalt  }
0x58: {  	_ =	shalt  }
0x59: {  	_ =	shalt  }
0x5a: {  	_ =	shalt  }
0x5b: {  	_ =	shalt  }
0x5c: {  	_ =	shalt  }
0x5d: {  	_ =	shalt  }
0x5e: {  	_ =	shalt  }
0x5f: {  	_ =	shalt  }
0x60: {  	_ =	shalt  }
0x61: {  	_ =	shalt  }
0x62: {  	_ =	shalt  }
0x63: {  	_ =	shalt  }
0x64: {  	_ =	shalt  }
0x65: {  	_ =	shalt  }
0x66: {  	_ =	shalt  }
0x67: {  	_ =	shalt  }
0x68: {  	_ =	shalt  }
0x69: {  	_ =	shalt  }
0x6a: {  	_ =	shalt  }
0x6b: {  	_ =	shalt  }
0x6c: {  	_ =	shalt  }
0x6d: {  	_ =	shalt  }
0x6e: {  	_ =	shalt  }
0x6f: {  	_ =	shalt  }
0x70: {  	_ =	shalt  }
0x71: {  	_ =	shalt  }
0x72: {  	_ =	shalt  }
0x73: {  	_ =	shalt  }
0x74: {  	_ =	shalt  }
0x75: {  	_ =	shalt  }
0x76: {  	_ =	shalt  }
0x77: {  	_ =	shalt  }
0x78: {  	_ =	shalt  }
0x79: {  	_ =	shalt  }
0x7a: {  	_ =	shalt  }
0x7b: {  	_ =	shalt  }
0x7c: {  	_ =	shalt  }
0x7d: {  	_ =	shalt  }
0x7e: {  	_ =	shalt  }
0x7f: {  	_ =	shalt  }
0x80: {  	_ =	shalt  }
0x81: {  	_ =	shalt  }
0x82: {  	_ =	shalt  }
0x83: {  	_ =	shalt  }
0x84: {  	_ =	shalt  }
0x85: {  	_ =	shalt  }
0x86: {  	_ =	shalt  }
0x87: {  	_ =	shalt  }
.Lfunc_end0:
.L_simem_size_0:
called_computation.1_lowered:
.L_overlay_start_0:
0x88: {  	s2 =	sld [smem:$0x3FD9]  }
0x89: {  	s3 =	sld [smem:$0x3FFE];
	_ =	sdelay $0x1  }
0x8a: {  	s1 =	srdreg.scid  }
0x8b: {  	s0 =	sand.u32 $0x1, s1  }
0x8c: {  	s17 =	sshll.u32 s0, $0xA;
	s2 =	sadd.s32 s3, s2  }
0x8d: {  	s2 =	sadd.s32 s2, s17  }
0x8e: {  	[smem:$0x3FC2] =	sst s2  }
0x8f: {  	_ = 	snop  }
0x90: {  	s2 =	sld [smem:$0x3FD0];
	(tm) =	ssettm $0x1  }
0x91: {  	s18 =	sld [smem:$0x3FFB];
	_ =	sdelay $0x3  }
0x92: {  	_ =	strace s18  }
0x93: {  	s3 =	sld [smem:$0x3FFC];
	_ =	sdelay $0x3  }
0x94: {  	_ =	strace s3  }
0x95: {  	s3 =	sld [smem:$0x3FFD];
	_ =	sdelay $0x3  }
0x96: {  	_ =	strace s3  }
0x97: {  	_ =	strace $0x8FFFFFFF  }
0x98: {  	s19 =	sld [smem:$0x3FDB];
	_ =	sdelay $0x1  }
0x99: {  	s4 =	simm.s32 $_scs_section_size  }
0x9a: {  	s5 =	simm.s32 $_size__tile_overlayer_lowered;
	s6 =	simm.s32 $_tile_overlayer_lowered  }
0x9b: {  	s22 =	simm.s32 $0x1BFF;
	s21 =	sshll.u32 s6, $0x1;
	s3 =	sadd.s32 s4, s19  }
0x9c: {  	s7 =	simm.s32 $0x0;
	s20 =	sshll.u32 s5, $0x1;
	s5 =	sadd.s32 s21, s3  }
0x9d: {  	[timem:s7], [sflag:s22] =	dma.local [hbm:s5], s20  }
0x9e: {  	_ =	swait.ge [sflag:s22], s20  }
0x9f: {  	s4 =	ssub.s32 $0x0, s20;
	[sflag:s22] =	ssyncset.done $0x0  }
0xa0: {  	[sflag:s22] =	ssyncadd.s32 s4;
	_ =	sdelay $0x1  }
0xa1: {  	s23 =	simm.s32 $0x1B8B  }
0xa2: {  	_ =	swait.ge [sflag:s23], $0x1  }
0xa3: {  	[sflag:s23] =	ssyncset.done $0x0  }
0xa4: {  	s25 =	simm.s32 $0x1B8E;
	s24 =	sld [smem:$0x3FFE];
	[sflag:s23] =	ssyncadd.s32 $0xFFFFFFFF  }
0xa5: {  	s26 =	simm.s32 $execute0_lowered;
	[smem:$0x3FD2] =	sst s25  }
0xa6: {  	s5 =	sshll.u32 s26, $0x1;
	_ =	strace $0x80000049;
	[dreg:$0x1] =	wrdreg $0xFFFFFFFF  }
0xa7: {  	s28 =	simm.s32 $_size_execute0_lowered;
	s3 =	sadd.s32 s3, s5;
	[dreg:$0x0] =	wrdreg $0x0  }
0xa8: {  	s5 =	sshll.u32 s28, $0x1;
	[dreg:$0x2] =	wrdreg s3  }
0xa9: {  	[dreg:$0x3] =	wrdreg s5  }
0xaa: {  	[dreg:$0x4] =	wrdreg $0xC0  }
0xab: {  	_ =	task [dreg:s7], $0x5FFFF  }
0xac: {  	[dreg:$0x1] =	wrdreg $0xFFFFFFFF  }
0xad: {  	[dreg:$0x0] =	wrdreg $0x60  }
0xae: {  	[dreg:$0x2] =	wrdreg s24  }
0xaf: {  	[dreg:$0x3] =	wrdreg s2  }
0xb0: {  	[dreg:$0x4] =	wrdreg $0x0  }
0xb1: {  	[dreg:$0x5] =	wrdreg $0x28000  }
0xb2: {  	[dreg:$0x6] =	wrdreg $0x9  }
0xb3: {  	_ =	task.clear_ibuf [dreg:s7], $0x7FFFF;
	_ =	strace $0x90000049  }
0xb4: {  	s29 =	simm.s32 $0x9;
	_ =	strace $0x8000004B  }
0xb5: {  	_ =	swait.ge [sflag:s29], $0x1  }
0xb6: {  	[sflag:s29] =	ssyncadd.s32 $0xFFFFFFFF  }
0xb7: {  	_ =	strace $0x9000004B  }
0xb8: {  	_ =	sfence  }
0xb9: {  	s30 =	sld [smem:$0x0];
	_ =	sdelay $0x2  }
0xba: {  	s31 =	sshll.u32 s1, $0xD;
	s1 =	sshrl.u32 s1, $0x2  }
0xbb: {  	s3 =	sand.u32 $0x4000, s31;
	s1 =	sadd.s32 s1, s30  }
0xbc: {  	s0 =	sor.u32 s3, s0;
	s1 =	sshll.u32 s1, $0x11  }
0xbd: {  	s0 =	sor.u32 s1, s0  }
0xbe: {  	s0 =	sadd.s32 $0x8F2B, s0  }
0xbf: {  	[sflag:s0] =	ssyncadd.remote.s32 $0x1  }
0xc0: {  	_ =	sfence.sel $0xFFFF  }
0xc1: {  	[dreg:$0x0] =	wrdreg $0xFFFFFFFF;
	(pc) =	sbr.abs _section_cstart, $3  }
0xc2: {  	[dreg:$0x1] =	wrdreg $0xFFFFFFFF  }
0xc3: {  	_ =	task.clear_ibuf [dreg:s7], $0x2FFFF;
	_ =	strace $0x9FFFFFFF  }
0xc4: {  	(tm) =	ssettm $0x7FFFFFFF  }
0xc5: {  	_ =	shalt  }
tec
execute0_lowered:
.L_overlay_start_1:
0x0: {  	(tag) =	ssettag $0x1  }
0x1: {  	s5 =	rddreg [dreg:$0x0]  }
0x2: {  	s12 =	rddreg [dreg:$0x1]  }
0x3: {  	s1 =	srdreg.scid;
	s2 =	rddreg [dreg:$0x2]  }
0x4: {  	s0 =	stileid.u32;
	s3 =	rddreg [dreg:$0x3];
	s4 =	simm.s32 $0x0  }
0x5: {  	s17 =	simm.s32 $0x19080;
	s18 =	simm.s32 $0x80;
	s19 =	simm.s32 $0x19100  }
0x6: {  	s6 =	sand.u32 $0x1, s1;
	s7 =	smul.u32 $0x1388, s0;
	s1 =	rddreg [dreg:$0x4]  }
0x7: {  	s20 =	simm.s32 $0x0;
	[smem:$0x7FF] =	sst s4;
	s26 =	smul.u32 $0x14000, s0  }
0x8: {  	s10 =	sshll.u32 s0, $0x1;
	s8 =	smul.u32 $0x9C4, s6;
	_ =	strace $0x8000004A  }
0x9: {  	s28 =	smul.u32 $0x140000, s6;
	s11 =	ssub.s32 $0x2, s6;
	s6 =	sor.u32 s6, s10  }
0xa: {  	s9 =	sshrl.u32 s26, $0x3;
	s29 =	sshrl.u32 s11, $0x1;
	s15 =	smul.u32 $0x9C4, s6  }
0xb: {  	s6 =	sadd.s32 s26, s2;
	s7 =	sadd.s32 s8, s7;
	s30 =	sadd.s32 s9, s5  }
0xc: {  	s11 =	ssub.s32 s11, s29;
	s7 =	sshrl.u32 s7, $0x1;
	s31 =	sadd.s32 $0x9C4, s15  }
0xd: {  	s8 =	sshrl.u32 s15, $0x5;
	s11 =	smax.u32 s11, $0x1;
	s15 =	simm.s32 $0x1  }
.Ltmp0:
0xe: {  	s13 =	sand.u32 $0x1FFF0, s7;
	s7 =	sadd.s32 s26, s28;
	(pc) =	sbr.rel .LBB2_1-.Ltmp0, $4  }
0xf: {  	s9 =	sshrl.u32 s31, $0x5;
	s14 =	sadd.s32 s13, s5;
	s7 =	sshrl.u32 s7, $0x3  }
0x10: {  	s12 =	sadd.s32 s13, s12;
	p0 =	sge.u32 s8, s9;
	s16 =	sadd.s32 s7, s5  }
0x11: {  	s5 =	sadd.s32 $0xB800, s30;
	s7 =	sadd.s32 s26, s3;
	s13 =	sadd.s32 $0x1A00, s14  }
0x12: {  	s14 =	simm.s32 $0x5000;
	s10 =	sadd.s32 $0x33800, s16;
	s16 =	simm.s32 $0x19000  }
.LBB2_4:
0x13: {  	[sflag:s15] =	ssyncadd.s32 $0xFFFFF800  }
.LBB2_5:
0x14: {  	[bflag:$0x0] =	sbarrier.arrive $0xFFFF  }
0x15: {  	[tilespmem:s14], [sflag:$0x1] =	stream.linear.gather [spmem:s7], $0x14000, $0x38;
	[tilespmem:$0x1D100] =	vst v63  }
0x16: {  	s20 =	sadd.s32 $0x1, s20;
	_ =	swait.ge [sflag:s15], $0x14000  }
0x17: {  	p1 =	sne.s32 s20, s11;
	[sflag:s15] =	ssyncset.done $0x0  }
.Ltmp1:
0x18: {  	[sflag:s15] =	ssyncadd.s32 $0xFFFEC000;
	(pc) =	sbr.rel @!p1 .LBB2_6-.Ltmp1, $4  }
0x19: {  	[hbm4b:s10+s4] =	stream.linear.scatter [tilespmem:s14], [sflag:$0x1], $0x14000, $0x38;
	[tilespmem:$0x1D100] =	vst v63  }
0x1a: {  	_ =	swait.ge [sflag:s15], $0x14000  }
0x1b: {  	[sflag:s15] =	ssyncset.done $0x0  }
0x1c: {  	[sflag:s15] =	ssyncadd.s32 $0xFFFEC000  }
.LBB2_1:
0x1d: {  	[tilespmem:s14], [sflag:$0x1] =	stream.linear.gather [hbm4b:s5+s4], $0x14000, $0x38;
	[tilespmem:$0x1D100] =	vst v63  }
0x1e: {  	_ =	swait.ge [sflag:s15], $0x14000  }
0x1f: {  	[sflag:s15] =	ssyncset.done $0x0  }
0x20: {  	[sflag:s15] =	ssyncadd.s32 $0xFFFEC000  }
0x21: {  	[spmem:s6] =	stream.linear.scatter [tilespmem:s14], [sflag:$0x1], $0x14000, $0x38;
	[tilespmem:$0x1D100] =	vst v63  }
0x22: {  	_ =	swait.ge [sflag:s15], $0x14000  }
0x23: {  	[sflag:s15] =	ssyncset.done $0x0  }
0x24: {  	[sflag:s15] =	ssyncadd.s32 $0xFFFEC000  }
0x25: {  	[spmem:s7] =	stream.linear.scatter [tilespmem:s14], [sflag:$0x1], $0x14000, $0x38;
	[tilespmem:$0x1D100] =	vst v63  }
.Ltmp2:
0x26: {  	_ =	swait.ge [sflag:s15], $0x14000;
	(pc) =	sbr.rel @p0 .LBB2_5-.Ltmp2, $3  }
0x27: {  	[sflag:s15] =	ssyncset.done $0x0  }
0x28: {  	[sflag:s15] =	ssyncadd.s32 $0xFFFEC000  }
0x29: {  	[bflag:$0x0] =	sbarrier.arrive $0xFFFF;
	_ =	sdelay $0x1  }
0x2a: {  	[tilespmem:s16], [sflag:$0x1] =	stream.linear.gather [hbm4b:s13+s4], $0x80, $0x38;
	[tilespmem:$0x1D100] =	vst v63  }
0x2b: {  	_ =	swait.ge [sflag:s15], $0x80  }
0x2c: {  	[sflag:s15] =	ssyncset.done $0x0  }
0x2d: {  	[sflag:s15] =	ssyncadd.s32 $0xFFFFFF80  }
0x2e: {  	[tilespmem:s17], [sflag:$0x1] =	stream.linear.gather [hbm4b:s12+s4], $0x80, $0x38;
	[tilespmem:$0x1D100] =	vst v63  }
0x2f: {  	_ =	swait.ge [sflag:s15], $0x80  }
0x30: {  	[sflag:s15] =	ssyncset.done $0x0  }
0x31: {  	s21 =	sadd.s32 $0x1, s8;
	[sflag:s15] =	ssyncadd.s32 $0xFFFFFF80  }
0x32: {  	[tilespmem:s19], [sflag:$0x1] =	stream.indirect.gather [spmem:s2], $0x10, s16, s18, $0xb8;
	[tilespmem:$0x1D100] =	vst v63  }
0x33: {  	p1 =	slt.u32 s21, s9;
	_ =	swait.ge [sflag:s15], $0x800  }
.Ltmp3:
0x34: {  	[sflag:s15] =	ssyncset.done $0x0;
	(pc) =	sbr.rel @!p1 .LBB2_4-.Ltmp3, $4  }
0x35: {  	[sflag:s15] =	ssyncadd.s32 $0xFFFFF800  }
0x36: {  	[spmem:s3] =	stream.indirect.scatter.add.f32 [tilespmem:s19], [sflag:$0x1], $0x10, s17, s18, $0xb8;
	[tilespmem:$0x1D100] =	vst v63  }
0x37: {  	_ =	swait.ge [sflag:s15], $0x800  }
0x38: {  	s22 =	sadd.s32 $0x10, s13;
	s23 =	smov.u32 s12;
	[sflag:s15] =	ssyncset.done $0x0  }
.LBB2_3:
0x39: {  	s21 =	sadd.s32 $0x1, s21;
	[sflag:s15] =	ssyncadd.s32 $0xFFFFF800;
	s23 =	sadd.s32 $0x10, s23  }
0x3a: {  	[tilespmem:s16], [sflag:$0x1] =	stream.linear.gather [hbm4b:s22+s4], $0x80, $0x38;
	[tilespmem:$0x1D100] =	vst v63  }
0x3b: {  	p1 =	slt.u32 s21, s9;
	_ =	swait.ge [sflag:s15], $0x80  }
0x3c: {  	[sflag:s15] =	ssyncset.done $0x0  }
0x3d: {  	[sflag:s15] =	ssyncadd.s32 $0xFFFFFF80  }
0x3e: {  	[tilespmem:s17], [sflag:$0x1] =	stream.linear.gather [hbm4b:s23+s4], $0x80, $0x38;
	[tilespmem:$0x1D100] =	vst v63  }
0x3f: {  	_ =	swait.ge [sflag:s15], $0x80  }
0x40: {  	[sflag:s15] =	ssyncset.done $0x0  }
0x41: {  	[sflag:s15] =	ssyncadd.s32 $0xFFFFFF80  }
0x42: {  	[tilespmem:s19], [sflag:$0x1] =	stream.indirect.gather [spmem:s2], $0x10, s16, s18, $0xb8;
	[tilespmem:$0x1D100] =	vst v63  }
0x43: {  	_ =	swait.ge [sflag:s15], $0x800  }
.Ltmp4:
0x44: {  	[sflag:s15] =	ssyncset.done $0x0;
	(pc) =	sbr.rel @p1 .LBB2_3-.Ltmp4, $4  }
0x45: {  	[sflag:s15] =	ssyncadd.s32 $0xFFFFF800  }
0x46: {  	[spmem:s3] =	stream.indirect.scatter.add.f32 [tilespmem:s19], [sflag:$0x1], $0x10, s17, s18, $0xb8;
	[tilespmem:$0x1D100] =	vst v63  }
0x47: {  	_ =	swait.ge [sflag:s15], $0x800  }
0x48: {  	s22 =	sadd.s32 $0x10, s22;
	[sflag:s15] =	ssyncset.done $0x0  }
.Ltmp5:
0x49: {  	_ = 	snop;
	(pc) =	sbr.rel .LBB2_4-.Ltmp5, $1  }
0x4a: {  	_ =	sdelay $0x3  }
.LBB2_6:
0x4b: {  	_ =	sfence.sel $0x180000  }
0x4c: {  	[bflag:$0x0] =	sbarrier.arrive $0xFFFF  }
0x4d: {  	p0 =	sne.s32 s0, $0x0;
	_ =	strace $0x9000004A  }
0x4e: {  	s0 =	sadd.s32 @!p0 $0x100000, s1;
	[bflag:$0x2] =	sbarrier.arrive $0xFFFF  }
0x4f: {  	[sflag:s0] =	ssyncadd.tile.s32 @!p0 $0x1;
	_ =	shalt  }
.Lfunc_end2:
_tile_overlayer_lowered:
.L_overlay_start_2:
0x50: {  	(tag) =	ssettag $0x2  }
0x51: {  	s0 =	rddreg [dreg:$0x0];
	s2 =	stileid.u32  }
0x52: {  	s1 =	rddreg [dreg:$0x1];
	p0 =	sne.s32 s2, $0x0  }
0x53: {  	s3 =	rddreg [dreg:$0x2];
	[bflag:$0x3] =	sbarrier.arrive $0xFFFF;
	s2 =	simm.s32 @!p0 $0x1C01  }
0x54: {  	[timem:s3], [sflag:s2] =	dma.local @!p0 [hbm:s0], s1  }
0x55: {  	s0 =	simm.s32 @!p0 $0x1  }
0x56: {  	_ =	swait.ge @!p0 [sflag:s0], s1  }
0x57: {  	s1 =	ssub.s32 @!p0 $0x0, s1;
	[sflag:s0] =	ssyncset.done @!p0 $0x0  }
0x58: {  	[sflag:s0] =	ssyncadd.s32 @!p0 s1  }
0x59: {  	[bflag:$0x3] =	sbarrier.arrive $0xFFFF  }
0x5a: {  	_ =	shalt  }

</sc_bundles>
